<compile_context>
chip_gen: v7x
topology: tpu7x:2x2x1
jax: 0.10.2.dev20260603
libtpu: 0.0.44.dev20260713+nightly
codegen_flags: <defaults>
</compile_context>

<pallas_src>
import jax
import jax.numpy as jnp
from jax import lax
from jax.experimental import pallas as pl
from jax.experimental.pallas import tpu as pltpu
from jax.experimental.pallas import tpu_sc as plsc

_NUM_FIXED = 256
_TOTAL_VT = 1024
_TOKEN_DIM = 4096
_BATCH = 16

_NC = 2
_NS = 16
_NW = _NC * _NS

_B_FLAT = _BATCH * _TOTAL_VT
_B_PER_W = _B_FLAT // _NW
_CH = 8
_NCHUNK = _B_PER_W // _CH
_NBUF = 3
_NFULL = _NCHUNK // _NBUF
_REM = _NCHUNK - _NFULL * _NBUF


_MBLK = 128
_MGRID = _TOTAL_VT // _MBLK
_MFIX = _NUM_FIXED // _MBLK


def _merge_body(emb_ref, train_ref, out_ref):
    g = pl.program_id(0)

    @pl.when(g < _MFIX)
    def _():
        out_ref[...] = emb_ref[...]

    @pl.when(g >= _MFIX)
    def _():
        out_ref[...] = train_ref[...]


def _gather_body(tbl_hbm, idx_hbm, out_hbm, idx_v, *rest):
    bufs = rest[:_NBUF]
    gsems = rest[_NBUF:2 * _NBUF]
    wsems = rest[2 * _NBUF:3 * _NBUF]

    c = lax.axis_index("c")
    s = lax.axis_index("s")
    wid = s * _NC + c
    out0 = wid * _B_PER_W

    pltpu.sync_copy(idx_hbm.at[pl.ds(wid * _NCHUNK, _NCHUNK)], idx_v)

    def start_gather(chunk, b):
        pltpu.async_copy(tbl_hbm.at[idx_v.at[chunk]], bufs[b], gsems[b])

    def wait_gather(b):
        pltpu.make_async_copy(tbl_hbm.at[pl.ds(0, _CH)], bufs[b], gsems[b]).wait()

    def start_write(chunk, b):
        pltpu.async_copy(bufs[b], out_hbm.at[pl.ds(out0 + chunk * _CH, _CH)],
                         wsems[b])

    def wait_write(chunk, b):
        pltpu.make_async_copy(bufs[b],
                              out_hbm.at[pl.ds(out0 + chunk * _CH, _CH)],
                              wsems[b]).wait()

    for b in range(_NBUF):
        start_gather(b, b)

    @pl.loop(0, (_NFULL - 1) * _NBUF, step=_NBUF)
    def _(base):
        for b in range(_NBUF):
            wait_gather(b)
            start_write(base + b, b)
        for b in range(_NBUF):
            wait_write(base + b, b)
            start_gather(base + _NBUF + b, b)

    last = (_NFULL - 1) * _NBUF
    for b in range(_NBUF):
        wait_gather(b)
        start_write(last + b, b)
    for r in range(_REM):
        wait_write(last + r, r)
        start_gather(_NFULL * _NBUF + r, r)
    for r in range(_REM):
        wait_gather(r)
        start_write(_NFULL * _NBUF + r, r)
    for b in range(_REM, _NBUF):
        wait_write(last + b, b)
    for r in range(_REM):
        wait_write(_NFULL * _NBUF + r, r)


@jax.jit
def _run(indices_2d, embeddings_weight, trainable_weight):
    mesh = plsc.VectorSubcoreMesh(core_axis_name="c", subcore_axis_name="s")
    merged = pl.pallas_call(
        _merge_body,
        out_shape=jax.ShapeDtypeStruct((_TOTAL_VT, _TOKEN_DIM), jnp.float32),
        grid=(_MGRID,),
        in_specs=[
            pl.BlockSpec((_MBLK, _TOKEN_DIM),
                         lambda g: (jnp.minimum(g, _MFIX - 1), 0)),
            pl.BlockSpec((_MBLK, _TOKEN_DIM),
                         lambda g: (jnp.maximum(g, _MFIX) - _MFIX, 0)),
        ],
        out_specs=pl.BlockSpec((_MBLK, _TOKEN_DIM), lambda g: (g, 0)),
    )(embeddings_weight, trainable_weight)
    gather = pl.kernel(
        _gather_body,
        out_type=jax.ShapeDtypeStruct((_B_FLAT, _TOKEN_DIM), jnp.float32),
        mesh=mesh,
        scratch_types=(
            [pltpu.VMEM((_NCHUNK, _CH), jnp.int32)]
            + [pltpu.VMEM((_CH, _TOKEN_DIM), jnp.float32) for _ in range(_NBUF)]
            + [pltpu.SemaphoreType.DMA for _ in range(2 * _NBUF)]
        ),
    )
    return gather(merged, indices_2d)


def kernel(indices, embeddings_weight, trainable_weight):
    idx_2d = indices.astype(jnp.int32).reshape(_B_FLAT // _CH, _CH)
    out = _run(idx_2d, embeddings_weight, trainable_weight)
    return out.reshape(_BATCH, _TOTAL_VT, _TOKEN_DIM)

# --- scband reference (transcript-rebuilt; emitter-appended) ---
"""Pipeline reference for scband-partial-prompt-embedding-26757646254188 (READ-ONLY COPY).

The authoritative reference and input builder live on the scoring server;
editing this copy changes nothing except your own understanding.
"""

import jax, jax.numpy as jnp
import numpy as np

NUM_FIXED = 256
TOTAL_VT = 1024
TOKEN_DIM = 4096
NUM_TO_LEARN = TOTAL_VT - NUM_FIXED
BATCH = 16


def setup_inputs(seed: int = 0) -> dict:
    key = jax.random.key(seed)
    k1, k2, k3 = jax.random.split(key, 3)
    indices = jax.random.randint(k1, (BATCH, TOTAL_VT), 0, TOTAL_VT, dtype=jnp.int64 if jax.config.jax_enable_x64 else jnp.int32)
    embeddings_weight = jax.random.normal(k2, (TOTAL_VT, TOKEN_DIM), dtype=jnp.float32)
    trainable_weight = jax.random.normal(k3, (NUM_TO_LEARN, TOKEN_DIM), dtype=jnp.float32)
    return {"indices": indices, "embeddings_weight": embeddings_weight, "trainable_weight": trainable_weight}


def reference(indices, embeddings_weight, trainable_weight):
    # forward: detach base table, overwrite learned rows with trainable_weight,
    # then plain embedding lookup.
    weight = jax.lax.stop_gradient(embeddings_weight)
    weight = weight.at[NUM_FIXED:].set(trainable_weight)
    out = jnp.take(weight, indices, axis=0)
    return out

if __name__ == "__main__":
    import jax
    _d = setup_inputs()
    print(jax.jit(kernel)(*tuple(_d.values())))

</pallas_src>

<mosaic_0001>
#map = affine_map<(d0, d1) -> (0, 0)>
module attributes {stable_mosaic.version = 14 : i64} {
  func.func @_gather_body(%arg0: i32, %arg1: i32, %arg2: memref<1024x4096xf32, #tpu.memory_space<hbm>>, %arg3: memref<2048x8xi32, #tpu.memory_space<hbm>>, %arg4: memref<16384x4096xf32, #tpu.memory_space<hbm>>, %arg5: memref<64x8xi32, #tpu.memory_space<vmem>>, %arg6: memref<8x4096xf32, #tpu.memory_space<vmem>>, %arg7: memref<8x4096xf32, #tpu.memory_space<vmem>>, %arg8: memref<8x4096xf32, #tpu.memory_space<vmem>>, %arg9: memref<!tpu.dma_semaphore, #tpu.memory_space<semaphore_mem>>, %arg10: memref<!tpu.dma_semaphore, #tpu.memory_space<semaphore_mem>>, %arg11: memref<!tpu.dma_semaphore, #tpu.memory_space<semaphore_mem>>, %arg12: memref<!tpu.dma_semaphore, #tpu.memory_space<semaphore_mem>>, %arg13: memref<!tpu.dma_semaphore, #tpu.memory_space<semaphore_mem>>, %arg14: memref<!tpu.dma_semaphore, #tpu.memory_space<semaphore_mem>>) attributes {dimension_semantics = [#tpu.dimension_semantics<core_parallel>, #tpu.dimension_semantics<subcore_parallel>], iteration_bounds = array<i64: 2, 16>, scalar_prefetch = 0 : i64, scratch_operands = 10 : i64, tpu.core_type = #tpu.core_type<sc_vector_subcore>, window_params = [{transform_indices = #map}, {transform_indices = #map}, {transform_indices = #map}]} {
    %mul3A = arith.constant 2 : i32
    %mul3A_0 = arith.muli %arg1, %mul3A : i32
    %add3A = arith.addi %mul3A_0, %arg0 : i32
    %mul3A_1 = arith.constant 512 : i32
    %mul3A_2 = arith.muli %add3A, %mul3A_1 : i32
    %mul3A_3 = arith.constant 64 : i32
    %mul3A_4 = arith.muli %add3A, %mul3A_3 : i32
    "tpu.region"() ({
      %run_scoped3A = tpu.sem_alloc : memref<!tpu.dma_semaphore, #tpu.memory_space<semaphore_mem>>
      %dma_start3A_107 = arith.constant 0 : i32
      %dma_start3A_108 = tpu.memref_slice %arg3[%mul3A_4, %dma_start3A_107] : memref<2048x8xi32, #tpu.memory_space<hbm>> -> memref<64x8xi32, #tpu.memory_space<hbm>>
      %dma_start3A_109 = arith.constant 0 : i32
      %dma_start3A_110 = tpu.memref_slice %arg3[%mul3A_4, %dma_start3A_109] : memref<2048x8xi32, #tpu.memory_space<hbm>> -> memref<64x8xi32, #tpu.memory_space<hbm>>
      tpu.enqueue_dma source(%dma_start3A_110 : memref<64x8xi32, #tpu.memory_space<hbm>>) target(%arg5 : memref<64x8xi32, #tpu.memory_space<vmem>>) target_semaphore(%run_scoped3A : memref<!tpu.dma_semaphore, #tpu.memory_space<semaphore_mem>>)
      %dma_wait3A_111 = arith.constant 0 : i32
      %dma_wait3A_112 = tpu.memref_slice %arg3[%mul3A_4, %dma_wait3A_111] : memref<2048x8xi32, #tpu.memory_space<hbm>> -> memref<64x8xi32, #tpu.memory_space<hbm>>
      %dma_wait3A_113 = arith.constant 0 : i32
      %dma_wait3A_114 = tpu.memref_slice %arg3[%mul3A_4, %dma_wait3A_113] : memref<2048x8xi32, #tpu.memory_space<hbm>> -> memref<64x8xi32, #tpu.memory_space<hbm>>
      tpu.wait_dma2 semaphore(%run_scoped3A : memref<!tpu.dma_semaphore, #tpu.memory_space<semaphore_mem>>) src(%dma_wait3A_114 : memref<64x8xi32, #tpu.memory_space<hbm>>) dst(%arg5 : memref<64x8xi32, #tpu.memory_space<vmem>>)
      tpu.yield
    }) : () -> ()
    %dma_start3A = arith.constant 0 : i32
    %dma_start3A_5 = arith.constant 0 : i32
    %dma_start3A_6 = tpu.memref_slice %arg5[%dma_start3A, %dma_start3A_5] : memref<64x8xi32, #tpu.memory_space<vmem>> -> memref<1x8xi32, #tpu.memory_space<vmem>>
    %dma_start3A_7 = tpu.memref_squeeze %dma_start3A_6 : memref<1x8xi32, #tpu.memory_space<vmem>> -> memref<8xi32, #tpu.memory_space<vmem>>
    %dma_start3A_8 = arith.constant 0 : i32
    %dma_start3A_9 = arith.constant 0 : i32
    %dma_start3A_10 = tpu.memref_slice %arg2[%dma_start3A_8, %dma_start3A_9] : memref<1024x4096xf32, #tpu.memory_space<hbm>> -> memref<1024x4096xf32, #tpu.memory_space<hbm>>
    tpu.enqueue_indirect_dma source(%dma_start3A_10 : memref<1024x4096xf32, #tpu.memory_space<hbm>>) target(%arg6 : memref<8x4096xf32, #tpu.memory_space<vmem>>) offsets(%dma_start3A_7 : memref<8xi32, #tpu.memory_space<vmem>>) semaphore(%arg9 : memref<!tpu.dma_semaphore, #tpu.memory_space<semaphore_mem>>)
    %dma_start3A_11 = arith.constant 1 : i32
    %dma_start3A_12 = arith.constant 0 : i32
    %dma_start3A_13 = tpu.memref_slice %arg5[%dma_start3A_11, %dma_start3A_12] : memref<64x8xi32, #tpu.memory_space<vmem>> -> memref<1x8xi32, #tpu.memory_space<vmem>>
    %dma_start3A_14 = tpu.memref_squeeze %dma_start3A_13 : memref<1x8xi32, #tpu.memory_space<vmem>> -> memref<8xi32, #tpu.memory_space<vmem>>
    %dma_start3A_15 = arith.constant 0 : i32
    %dma_start3A_16 = arith.constant 0 : i32
    %dma_start3A_17 = tpu.memref_slice %arg2[%dma_start3A_15, %dma_start3A_16] : memref<1024x4096xf32, #tpu.memory_space<hbm>> -> memref<1024x4096xf32, #tpu.memory_space<hbm>>
    tpu.enqueue_indirect_dma source(%dma_start3A_17 : memref<1024x4096xf32, #tpu.memory_space<hbm>>) target(%arg7 : memref<8x4096xf32, #tpu.memory_space<vmem>>) offsets(%dma_start3A_14 : memref<8xi32, #tpu.memory_space<vmem>>) semaphore(%arg10 : memref<!tpu.dma_semaphore, #tpu.memory_space<semaphore_mem>>)
    %dma_start3A_18 = arith.constant 2 : i32
    %dma_start3A_19 = arith.constant 0 : i32
    %dma_start3A_20 = tpu.memref_slice %arg5[%dma_start3A_18, %dma_start3A_19] : memref<64x8xi32, #tpu.memory_space<vmem>> -> memref<1x8xi32, #tpu.memory_space<vmem>>
    %dma_start3A_21 = tpu.memref_squeeze %dma_start3A_20 : memref<1x8xi32, #tpu.memory_space<vmem>> -> memref<8xi32, #tpu.memory_space<vmem>>
    %dma_start3A_22 = arith.constant 0 : i32
    %dma_start3A_23 = arith.constant 0 : i32
    %dma_start3A_24 = tpu.memref_slice %arg2[%dma_start3A_22, %dma_start3A_23] : memref<1024x4096xf32, #tpu.memory_space<hbm>> -> memref<1024x4096xf32, #tpu.memory_space<hbm>>
    tpu.enqueue_indirect_dma source(%dma_start3A_24 : memref<1024x4096xf32, #tpu.memory_space<hbm>>) target(%arg8 : memref<8x4096xf32, #tpu.memory_space<vmem>>) offsets(%dma_start3A_21 : memref<8xi32, #tpu.memory_space<vmem>>) semaphore(%arg11 : memref<!tpu.dma_semaphore, #tpu.memory_space<semaphore_mem>>)
    %scan3A = arith.constant 0 : i32
    %scan3A_25 = arith.constant 20 : i32
    %scan3A_26 = arith.addi %scan3A, %scan3A_25 : i32
    %scan3A_27 = arith.constant 1 : i32
    scf.for %scan3A_107 = %scan3A to %scan3A_26 step %scan3A_27  : i32 {
      %mul3A_108 = arith.constant 3 : i32
      %mul3A_109 = arith.muli %scan3A_107, %mul3A_108 : i32
      %add3A_110 = arith.constant 0 : i32
      %add3A_111 = arith.addi %add3A_110, %mul3A_109 : i32
      %dma_wait3A_112 = arith.constant 0 : i32
      %dma_wait3A_113 = arith.constant 0 : i32
      %dma_wait3A_114 = tpu.memref_slice %arg2[%dma_wait3A_112, %dma_wait3A_113] : memref<1024x4096xf32, #tpu.memory_space<hbm>> -> memref<8x4096xf32, #tpu.memory_space<hbm>>
      %dma_wait3A_115 = arith.constant 0 : i32
      %dma_wait3A_116 = arith.constant 0 : i32
      %dma_wait3A_117 = tpu.memref_slice %arg2[%dma_wait3A_115, %dma_wait3A_116] : memref<1024x4096xf32, #tpu.memory_space<hbm>> -> memref<8x4096xf32, #tpu.memory_space<hbm>>
      tpu.wait_dma2 semaphore(%arg9 : memref<!tpu.dma_semaphore, #tpu.memory_space<semaphore_mem>>) src(%dma_wait3A_117 : memref<8x4096xf32, #tpu.memory_space<hbm>>) dst(%arg6 : memref<8x4096xf32, #tpu.memory_space<vmem>>)
      %add3A_118 = arith.constant 0 : i32
      %add3A_119 = arith.addi %add3A_111, %add3A_118 : i32
      %mul3A_120 = arith.constant 8 : i32
      %mul3A_121 = arith.muli %add3A_119, %mul3A_120 : i32
      %add3A_122 = arith.addi %mul3A_2, %mul3A_121 : i32
      %dma_start3A_123 = arith.constant 0 : i32
      %dma_start3A_124 = tpu.memref_slice %arg4[%add3A_122, %dma_start3A_123] : memref<16384x4096xf32, #tpu.memory_space<hbm>> -> memref<8x4096xf32, #tpu.memory_space<hbm>>
      %dma_start3A_125 = arith.constant 0 : i32
      %dma_start3A_126 = tpu.memref_slice %arg4[%add3A_122, %dma_start3A_125] : memref<16384x4096xf32, #tpu.memory_space<hbm>> -> memref<8x4096xf32, #tpu.memory_space<hbm>>
      tpu.enqueue_dma source(%arg6 : memref<8x4096xf32, #tpu.memory_space<vmem>>) target(%dma_start3A_126 : memref<8x4096xf32, #tpu.memory_space<hbm>>) target_semaphore(%arg12 : memref<!tpu.dma_semaphore, #tpu.memory_space<semaphore_mem>>)
      %dma_wait3A_127 = arith.constant 0 : i32
      %dma_wait3A_128 = arith.constant 0 : i32
      %dma_wait3A_129 = tpu.memref_slice %arg2[%dma_wait3A_127, %dma_wait3A_128] : memref<1024x4096xf32, #tpu.memory_space<hbm>> -> memref<8x4096xf32, #tpu.memory_space<hbm>>
      %dma_wait3A_130 = arith.constant 0 : i32
      %dma_wait3A_131 = arith.constant 0 : i32
      %dma_wait3A_132 = tpu.memref_slice %arg2[%dma_wait3A_130, %dma_wait3A_131] : memref<1024x4096xf32, #tpu.memory_space<hbm>> -> memref<8x4096xf32, #tpu.memory_space<hbm>>
      tpu.wait_dma2 semaphore(%arg10 : memref<!tpu.dma_semaphore, #tpu.memory_space<semaphore_mem>>) src(%dma_wait3A_132 : memref<8x4096xf32, #tpu.memory_space<hbm>>) dst(%arg7 : memref<8x4096xf32, #tpu.memory_space<vmem>>)
      %add3A_133 = arith.constant 1 : i32
      %add3A_134 = arith.addi %add3A_111, %add3A_133 : i32
      %mul3A_135 = arith.constant 8 : i32
      %mul3A_136 = arith.muli %add3A_134, %mul3A_135 : i32
      %add3A_137 = arith.addi %mul3A_2, %mul3A_136 : i32
      %dma_start3A_138 = arith.constant 0 : i32
      %dma_start3A_139 = tpu.memref_slice %arg4[%add3A_137, %dma_start3A_138] : memref<16384x4096xf32, #tpu.memory_space<hbm>> -> memref<8x4096xf32, #tpu.memory_space<hbm>>
      %dma_start3A_140 = arith.constant 0 : i32
      %dma_start3A_141 = tpu.memref_slice %arg4[%add3A_137, %dma_start3A_140] : memref<16384x4096xf32, #tpu.memory_space<hbm>> -> memref<8x4096xf32, #tpu.memory_space<hbm>>
      tpu.enqueue_dma source(%arg7 : memref<8x4096xf32, #tpu.memory_space<vmem>>) target(%dma_start3A_141 : memref<8x4096xf32, #tpu.memory_space<hbm>>) target_semaphore(%arg13 : memref<!tpu.dma_semaphore, #tpu.memory_space<semaphore_mem>>)
      %dma_wait3A_142 = arith.constant 0 : i32
      %dma_wait3A_143 = arith.constant 0 : i32
      %dma_wait3A_144 = tpu.memref_slice %arg2[%dma_wait3A_142, %dma_wait3A_143] : memref<1024x4096xf32, #tpu.memory_space<hbm>> -> memref<8x4096xf32, #tpu.memory_space<hbm>>
      %dma_wait3A_145 = arith.constant 0 : i32
      %dma_wait3A_146 = arith.constant 0 : i32
      %dma_wait3A_147 = tpu.memref_slice %arg2[%dma_wait3A_145, %dma_wait3A_146] : memref<1024x4096xf32, #tpu.memory_space<hbm>> -> memref<8x4096xf32, #tpu.memory_space<hbm>>
      tpu.wait_dma2 semaphore(%arg11 : memref<!tpu.dma_semaphore, #tpu.memory_space<semaphore_mem>>) src(%dma_wait3A_147 : memref<8x4096xf32, #tpu.memory_space<hbm>>) dst(%arg8 : memref<8x4096xf32, #tpu.memory_space<vmem>>)
      %add3A_148 = arith.constant 2 : i32
      %add3A_149 = arith.addi %add3A_111, %add3A_148 : i32
      %mul3A_150 = arith.constant 8 : i32
      %mul3A_151 = arith.muli %add3A_149, %mul3A_150 : i32
      %add3A_152 = arith.addi %mul3A_2, %mul3A_151 : i32
      %dma_start3A_153 = arith.constant 0 : i32
      %dma_start3A_154 = tpu.memref_slice %arg4[%add3A_152, %dma_start3A_153] : memref<16384x4096xf32, #tpu.memory_space<hbm>> -> memref<8x4096xf32, #tpu.memory_space<hbm>>
      %dma_start3A_155 = arith.constant 0 : i32
      %dma_start3A_156 = tpu.memref_slice %arg4[%add3A_152, %dma_start3A_155] : memref<16384x4096xf32, #tpu.memory_space<hbm>> -> memref<8x4096xf32, #tpu.memory_space<hbm>>
      tpu.enqueue_dma source(%arg8 : memref<8x4096xf32, #tpu.memory_space<vmem>>) target(%dma_start3A_156 : memref<8x4096xf32, #tpu.memory_space<hbm>>) target_semaphore(%arg14 : memref<!tpu.dma_semaphore, #tpu.memory_space<semaphore_mem>>)
      %add3A_157 = arith.constant 0 : i32
      %add3A_158 = arith.addi %add3A_111, %add3A_157 : i32
      %mul3A_159 = arith.constant 8 : i32
      %mul3A_160 = arith.muli %add3A_158, %mul3A_159 : i32
      %add3A_161 = arith.addi %mul3A_2, %mul3A_160 : i32
      %dma_wait3A_162 = arith.constant 0 : i32
      %dma_wait3A_163 = tpu.memref_slice %arg4[%add3A_161, %dma_wait3A_162] : memref<16384x4096xf32, #tpu.memory_space<hbm>> -> memref<8x4096xf32, #tpu.memory_space<hbm>>
      %dma_wait3A_164 = arith.constant 0 : i32
      %dma_wait3A_165 = tpu.memref_slice %arg4[%add3A_161, %dma_wait3A_164] : memref<16384x4096xf32, #tpu.memory_space<hbm>> -> memref<8x4096xf32, #tpu.memory_space<hbm>>
      tpu.wait_dma2 semaphore(%arg12 : memref<!tpu.dma_semaphore, #tpu.memory_space<semaphore_mem>>) src(%arg6 : memref<8x4096xf32, #tpu.memory_space<vmem>>) dst(%dma_wait3A_165 : memref<8x4096xf32, #tpu.memory_space<hbm>>)
      %add3A_166 = arith.constant 3 : i32
      %add3A_167 = arith.addi %add3A_111, %add3A_166 : i32
      %add3A_168 = arith.constant 0 : i32
      %add3A_169 = arith.addi %add3A_167, %add3A_168 : i32
      %dma_start3A_170 = arith.constant 0 : i32
      %dma_start3A_171 = tpu.memref_slice %arg5[%add3A_169, %dma_start3A_170] : memref<64x8xi32, #tpu.memory_space<vmem>> -> memref<1x8xi32, #tpu.memory_space<vmem>>
      %dma_start3A_172 = tpu.memref_squeeze %dma_start3A_171 : memref<1x8xi32, #tpu.memory_space<vmem>> -> memref<8xi32, #tpu.memory_space<vmem>>
      %dma_start3A_173 = arith.constant 0 : i32
      %dma_start3A_174 = arith.constant 0 : i32
      %dma_start3A_175 = tpu.memref_slice %arg2[%dma_start3A_173, %dma_start3A_174] : memref<1024x4096xf32, #tpu.memory_space<hbm>> -> memref<1024x4096xf32, #tpu.memory_space<hbm>>
      tpu.enqueue_indirect_dma source(%dma_start3A_175 : memref<1024x4096xf32, #tpu.memory_space<hbm>>) target(%arg6 : memref<8x4096xf32, #tpu.memory_space<vmem>>) offsets(%dma_start3A_172 : memref<8xi32, #tpu.memory_space<vmem>>) semaphore(%arg9 : memref<!tpu.dma_semaphore, #tpu.memory_space<semaphore_mem>>)
      %add3A_176 = arith.constant 1 : i32
      %add3A_177 = arith.addi %add3A_111, %add3A_176 : i32
      %mul3A_178 = arith.constant 8 : i32
      %mul3A_179 = arith.muli %add3A_177, %mul3A_178 : i32
      %add3A_180 = arith.addi %mul3A_2, %mul3A_179 : i32
      %dma_wait3A_181 = arith.constant 0 : i32
      %dma_wait3A_182 = tpu.memref_slice %arg4[%add3A_180, %dma_wait3A_181] : memref<16384x4096xf32, #tpu.memory_space<hbm>> -> memref<8x4096xf32, #tpu.memory_space<hbm>>
      %dma_wait3A_183 = arith.constant 0 : i32
      %dma_wait3A_184 = tpu.memref_slice %arg4[%add3A_180, %dma_wait3A_183] : memref<16384x4096xf32, #tpu.memory_space<hbm>> -> memref<8x4096xf32, #tpu.memory_space<hbm>>
      tpu.wait_dma2 semaphore(%arg13 : memref<!tpu.dma_semaphore, #tpu.memory_space<semaphore_mem>>) src(%arg7 : memref<8x4096xf32, #tpu.memory_space<vmem>>) dst(%dma_wait3A_184 : memref<8x4096xf32, #tpu.memory_space<hbm>>)
      %add3A_185 = arith.constant 3 : i32
      %add3A_186 = arith.addi %add3A_111, %add3A_185 : i32
      %add3A_187 = arith.constant 1 : i32
      %add3A_188 = arith.addi %add3A_186, %add3A_187 : i32
      %dma_start3A_189 = arith.constant 0 : i32
      %dma_start3A_190 = tpu.memref_slice %arg5[%add3A_188, %dma_start3A_189] : memref<64x8xi32, #tpu.memory_space<vmem>> -> memref<1x8xi32, #tpu.memory_space<vmem>>
      %dma_start3A_191 = tpu.memref_squeeze %dma_start3A_190 : memref<1x8xi32, #tpu.memory_space<vmem>> -> memref<8xi32, #tpu.memory_space<vmem>>
      %dma_start3A_192 = arith.constant 0 : i32
      %dma_start3A_193 = arith.constant 0 : i32
      %dma_start3A_194 = tpu.memref_slice %arg2[%dma_start3A_192, %dma_start3A_193] : memref<1024x4096xf32, #tpu.memory_space<hbm>> -> memref<1024x4096xf32, #tpu.memory_space<hbm>>
      tpu.enqueue_indirect_dma source(%dma_start3A_194 : memref<1024x4096xf32, #tpu.memory_space<hbm>>) target(%arg7 : memref<8x4096xf32, #tpu.memory_space<vmem>>) offsets(%dma_start3A_191 : memref<8xi32, #tpu.memory_space<vmem>>) semaphore(%arg10 : memref<!tpu.dma_semaphore, #tpu.memory_space<semaphore_mem>>)
      %add3A_195 = arith.constant 2 : i32
      %add3A_196 = arith.addi %add3A_111, %add3A_195 : i32
      %mul3A_197 = arith.constant 8 : i32
      %mul3A_198 = arith.muli %add3A_196, %mul3A_197 : i32
      %add3A_199 = arith.addi %mul3A_2, %mul3A_198 : i32
      %dma_wait3A_200 = arith.constant 0 : i32
      %dma_wait3A_201 = tpu.memref_slice %arg4[%add3A_199, %dma_wait3A_200] : memref<16384x4096xf32, #tpu.memory_space<hbm>> -> memref<8x4096xf32, #tpu.memory_space<hbm>>
      %dma_wait3A_202 = arith.constant 0 : i32
      %dma_wait3A_203 = tpu.memref_slice %arg4[%add3A_199, %dma_wait3A_202] : memref<16384x4096xf32, #tpu.memory_space<hbm>> -> memref<8x4096xf32, #tpu.memory_space<hbm>>
      tpu.wait_dma2 semaphore(%arg14 : memref<!tpu.dma_semaphore, #tpu.memory_space<semaphore_mem>>) src(%arg8 : memref<8x4096xf32, #tpu.memory_space<vmem>>) dst(%dma_wait3A_203 : memref<8x4096xf32, #tpu.memory_space<hbm>>)
      %add3A_204 = arith.constant 3 : i32
      %add3A_205 = arith.addi %add3A_111, %add3A_204 : i32
      %add3A_206 = arith.constant 2 : i32
      %add3A_207 = arith.addi %add3A_205, %add3A_206 : i32
      %dma_start3A_208 = arith.constant 0 : i32
      %dma_start3A_209 = tpu.memref_slice %arg5[%add3A_207, %dma_start3A_208] : memref<64x8xi32, #tpu.memory_space<vmem>> -> memref<1x8xi32, #tpu.memory_space<vmem>>
      %dma_start3A_210 = tpu.memref_squeeze %dma_start3A_209 : memref<1x8xi32, #tpu.memory_space<vmem>> -> memref<8xi32, #tpu.memory_space<vmem>>
      %dma_start3A_211 = arith.constant 0 : i32
      %dma_start3A_212 = arith.constant 0 : i32
      %dma_start3A_213 = tpu.memref_slice %arg2[%dma_start3A_211, %dma_start3A_212] : memref<1024x4096xf32, #tpu.memory_space<hbm>> -> memref<1024x4096xf32, #tpu.memory_space<hbm>>
      tpu.enqueue_indirect_dma source(%dma_start3A_213 : memref<1024x4096xf32, #tpu.memory_space<hbm>>) target(%arg8 : memref<8x4096xf32, #tpu.memory_space<vmem>>) offsets(%dma_start3A_210 : memref<8xi32, #tpu.memory_space<vmem>>) semaphore(%arg11 : memref<!tpu.dma_semaphore, #tpu.memory_space<semaphore_mem>>)
    }
    %scan3A_28 = arith.constant 20 : i32
    %dma_wait3A = arith.constant 0 : i32
    %dma_wait3A_29 = arith.constant 0 : i32
    %dma_wait3A_30 = tpu.memref_slice %arg2[%dma_wait3A, %dma_wait3A_29] : memref<1024x4096xf32, #tpu.memory_space<hbm>> -> memref<8x4096xf32, #tpu.memory_space<hbm>>
    %dma_wait3A_31 = arith.constant 0 : i32
    %dma_wait3A_32 = arith.constant 0 : i32
    %dma_wait3A_33 = tpu.memref_slice %arg2[%dma_wait3A_31, %dma_wait3A_32] : memref<1024x4096xf32, #tpu.memory_space<hbm>> -> memref<8x4096xf32, #tpu.memory_space<hbm>>
    tpu.wait_dma2 semaphore(%arg9 : memref<!tpu.dma_semaphore, #tpu.memory_space<semaphore_mem>>) src(%dma_wait3A_33 : memref<8x4096xf32, #tpu.memory_space<hbm>>) dst(%arg6 : memref<8x4096xf32, #tpu.memory_space<vmem>>)
    %add3A_34 = arith.constant 480 : i32
    %add3A_35 = arith.addi %mul3A_2, %add3A_34 : i32
    %dma_start3A_36 = arith.constant 0 : i32
    %dma_start3A_37 = tpu.memref_slice %arg4[%add3A_35, %dma_start3A_36] : memref<16384x4096xf32, #tpu.memory_space<hbm>> -> memref<8x4096xf32, #tpu.memory_space<hbm>>
    %dma_start3A_38 = arith.constant 0 : i32
    %dma_start3A_39 = tpu.memref_slice %arg4[%add3A_35, %dma_start3A_38] : memref<16384x4096xf32, #tpu.memory_space<hbm>> -> memref<8x4096xf32, #tpu.memory_space<hbm>>
    tpu.enqueue_dma source(%arg6 : memref<8x4096xf32, #tpu.memory_space<vmem>>) target(%dma_start3A_39 : memref<8x4096xf32, #tpu.memory_space<hbm>>) target_semaphore(%arg12 : memref<!tpu.dma_semaphore, #tpu.memory_space<semaphore_mem>>)
    %dma_wait3A_40 = arith.constant 0 : i32
    %dma_wait3A_41 = arith.constant 0 : i32
    %dma_wait3A_42 = tpu.memref_slice %arg2[%dma_wait3A_40, %dma_wait3A_41] : memref<1024x4096xf32, #tpu.memory_space<hbm>> -> memref<8x4096xf32, #tpu.memory_space<hbm>>
    %dma_wait3A_43 = arith.constant 0 : i32
    %dma_wait3A_44 = arith.constant 0 : i32
    %dma_wait3A_45 = tpu.memref_slice %arg2[%dma_wait3A_43, %dma_wait3A_44] : memref<1024x4096xf32, #tpu.memory_space<hbm>> -> memref<8x4096xf32, #tpu.memory_space<hbm>>
    tpu.wait_dma2 semaphore(%arg10 : memref<!tpu.dma_semaphore, #tpu.memory_space<semaphore_mem>>) src(%dma_wait3A_45 : memref<8x4096xf32, #tpu.memory_space<hbm>>) dst(%arg7 : memref<8x4096xf32, #tpu.memory_space<vmem>>)
    %add3A_46 = arith.constant 488 : i32
    %add3A_47 = arith.addi %mul3A_2, %add3A_46 : i32
    %dma_start3A_48 = arith.constant 0 : i32
    %dma_start3A_49 = tpu.memref_slice %arg4[%add3A_47, %dma_start3A_48] : memref<16384x4096xf32, #tpu.memory_space<hbm>> -> memref<8x4096xf32, #tpu.memory_space<hbm>>
    %dma_start3A_50 = arith.constant 0 : i32
    %dma_start3A_51 = tpu.memref_slice %arg4[%add3A_47, %dma_start3A_50] : memref<16384x4096xf32, #tpu.memory_space<hbm>> -> memref<8x4096xf32, #tpu.memory_space<hbm>>
    tpu.enqueue_dma source(%arg7 : memref<8x4096xf32, #tpu.memory_space<vmem>>) target(%dma_start3A_51 : memref<8x4096xf32, #tpu.memory_space<hbm>>) target_semaphore(%arg13 : memref<!tpu.dma_semaphore, #tpu.memory_space<semaphore_mem>>)
    %dma_wait3A_52 = arith.constant 0 : i32
    %dma_wait3A_53 = arith.constant 0 : i32
    %dma_wait3A_54 = tpu.memref_slice %arg2[%dma_wait3A_52, %dma_wait3A_53] : memref<1024x4096xf32, #tpu.memory_space<hbm>> -> memref<8x4096xf32, #tpu.memory_space<hbm>>
    %dma_wait3A_55 = arith.constant 0 : i32
    %dma_wait3A_56 = arith.constant 0 : i32
    %dma_wait3A_57 = tpu.memref_slice %arg2[%dma_wait3A_55, %dma_wait3A_56] : memref<1024x4096xf32, #tpu.memory_space<hbm>> -> memref<8x4096xf32, #tpu.memory_space<hbm>>
    tpu.wait_dma2 semaphore(%arg11 : memref<!tpu.dma_semaphore, #tpu.memory_space<semaphore_mem>>) src(%dma_wait3A_57 : memref<8x4096xf32, #tpu.memory_space<hbm>>) dst(%arg8 : memref<8x4096xf32, #tpu.memory_space<vmem>>)
    %add3A_58 = arith.constant 496 : i32
    %add3A_59 = arith.addi %mul3A_2, %add3A_58 : i32
    %dma_start3A_60 = arith.constant 0 : i32
    %dma_start3A_61 = tpu.memref_slice %arg4[%add3A_59, %dma_start3A_60] : memref<16384x4096xf32, #tpu.memory_space<hbm>> -> memref<8x4096xf32, #tpu.memory_space<hbm>>
    %dma_start3A_62 = arith.constant 0 : i32
    %dma_start3A_63 = tpu.memref_slice %arg4[%add3A_59, %dma_start3A_62] : memref<16384x4096xf32, #tpu.memory_space<hbm>> -> memref<8x4096xf32, #tpu.memory_space<hbm>>
    tpu.enqueue_dma source(%arg8 : memref<8x4096xf32, #tpu.memory_space<vmem>>) target(%dma_start3A_63 : memref<8x4096xf32, #tpu.memory_space<hbm>>) target_semaphore(%arg14 : memref<!tpu.dma_semaphore, #tpu.memory_space<semaphore_mem>>)
    %add3A_64 = arith.constant 480 : i32
    %add3A_65 = arith.addi %mul3A_2, %add3A_64 : i32
    %dma_wait3A_66 = arith.constant 0 : i32
    %dma_wait3A_67 = tpu.memref_slice %arg4[%add3A_65, %dma_wait3A_66] : memref<16384x4096xf32, #tpu.memory_space<hbm>> -> memref<8x4096xf32, #tpu.memory_space<hbm>>
    %dma_wait3A_68 = arith.constant 0 : i32
    %dma_wait3A_69 = tpu.memref_slice %arg4[%add3A_65, %dma_wait3A_68] : memref<16384x4096xf32, #tpu.memory_space<hbm>> -> memref<8x4096xf32, #tpu.memory_space<hbm>>
    tpu.wait_dma2 semaphore(%arg12 : memref<!tpu.dma_semaphore, #tpu.memory_space<semaphore_mem>>) src(%arg6 : memref<8x4096xf32, #tpu.memory_space<vmem>>) dst(%dma_wait3A_69 : memref<8x4096xf32, #tpu.memory_space<hbm>>)
    %dma_start3A_70 = arith.constant 63 : i32
    %dma_start3A_71 = arith.constant 0 : i32
    %dma_start3A_72 = tpu.memref_slice %arg5[%dma_start3A_70, %dma_start3A_71] : memref<64x8xi32, #tpu.memory_space<vmem>> -> memref<1x8xi32, #tpu.memory_space<vmem>>
    %dma_start3A_73 = tpu.memref_squeeze %dma_start3A_72 : memref<1x8xi32, #tpu.memory_space<vmem>> -> memref<8xi32, #tpu.memory_space<vmem>>
    %dma_start3A_74 = arith.constant 0 : i32
    %dma_start3A_75 = arith.constant 0 : i32
    %dma_start3A_76 = tpu.memref_slice %arg2[%dma_start3A_74, %dma_start3A_75] : memref<1024x4096xf32, #tpu.memory_space<hbm>> -> memref<1024x4096xf32, #tpu.memory_space<hbm>>
    tpu.enqueue_indirect_dma source(%dma_start3A_76 : memref<1024x4096xf32, #tpu.memory_space<hbm>>) target(%arg6 : memref<8x4096xf32, #tpu.memory_space<vmem>>) offsets(%dma_start3A_73 : memref<8xi32, #tpu.memory_space<vmem>>) semaphore(%arg9 : memref<!tpu.dma_semaphore, #tpu.memory_space<semaphore_mem>>)
    %dma_wait3A_77 = arith.constant 0 : i32
    %dma_wait3A_78 = arith.constant 0 : i32
    %dma_wait3A_79 = tpu.memref_slice %arg2[%dma_wait3A_77, %dma_wait3A_78] : memref<1024x4096xf32, #tpu.memory_space<hbm>> -> memref<8x4096xf32, #tpu.memory_space<hbm>>
    %dma_wait3A_80 = arith.constant 0 : i32
    %dma_wait3A_81 = arith.constant 0 : i32
    %dma_wait3A_82 = tpu.memref_slice %arg2[%dma_wait3A_80, %dma_wait3A_81] : memref<1024x4096xf32, #tpu.memory_space<hbm>> -> memref<8x4096xf32, #tpu.memory_space<hbm>>
    tpu.wait_dma2 semaphore(%arg9 : memref<!tpu.dma_semaphore, #tpu.memory_space<semaphore_mem>>) src(%dma_wait3A_82 : memref<8x4096xf32, #tpu.memory_space<hbm>>) dst(%arg6 : memref<8x4096xf32, #tpu.memory_space<vmem>>)
    %add3A_83 = arith.constant 504 : i32
    %add3A_84 = arith.addi %mul3A_2, %add3A_83 : i32
    %dma_start3A_85 = arith.constant 0 : i32
    %dma_start3A_86 = tpu.memref_slice %arg4[%add3A_84, %dma_start3A_85] : memref<16384x4096xf32, #tpu.memory_space<hbm>> -> memref<8x4096xf32, #tpu.memory_space<hbm>>
    %dma_start3A_87 = arith.constant 0 : i32
    %dma_start3A_88 = tpu.memref_slice %arg4[%add3A_84, %dma_start3A_87] : memref<16384x4096xf32, #tpu.memory_space<hbm>> -> memref<8x4096xf32, #tpu.memory_space<hbm>>
    tpu.enqueue_dma source(%arg6 : memref<8x4096xf32, #tpu.memory_space<vmem>>) target(%dma_start3A_88 : memref<8x4096xf32, #tpu.memory_space<hbm>>) target_semaphore(%arg12 : memref<!tpu.dma_semaphore, #tpu.memory_space<semaphore_mem>>)
    %add3A_89 = arith.constant 488 : i32
    %add3A_90 = arith.addi %mul3A_2, %add3A_89 : i32
    %dma_wait3A_91 = arith.constant 0 : i32
    %dma_wait3A_92 = tpu.memref_slice %arg4[%add3A_90, %dma_wait3A_91] : memref<16384x4096xf32, #tpu.memory_space<hbm>> -> memref<8x4096xf32, #tpu.memory_space<hbm>>
    %dma_wait3A_93 = arith.constant 0 : i32
    %dma_wait3A_94 = tpu.memref_slice %arg4[%add3A_90, %dma_wait3A_93] : memref<16384x4096xf32, #tpu.memory_space<hbm>> -> memref<8x4096xf32, #tpu.memory_space<hbm>>
    tpu.wait_dma2 semaphore(%arg13 : memref<!tpu.dma_semaphore, #tpu.memory_space<semaphore_mem>>) src(%arg7 : memref<8x4096xf32, #tpu.memory_space<vmem>>) dst(%dma_wait3A_94 : memref<8x4096xf32, #tpu.memory_space<hbm>>)
    %add3A_95 = arith.constant 496 : i32
    %add3A_96 = arith.addi %mul3A_2, %add3A_95 : i32
    %dma_wait3A_97 = arith.constant 0 : i32
    %dma_wait3A_98 = tpu.memref_slice %arg4[%add3A_96, %dma_wait3A_97] : memref<16384x4096xf32, #tpu.memory_space<hbm>> -> memref<8x4096xf32, #tpu.memory_space<hbm>>
    %dma_wait3A_99 = arith.constant 0 : i32
    %dma_wait3A_100 = tpu.memref_slice %arg4[%add3A_96, %dma_wait3A_99] : memref<16384x4096xf32, #tpu.memory_space<hbm>> -> memref<8x4096xf32, #tpu.memory_space<hbm>>
    tpu.wait_dma2 semaphore(%arg14 : memref<!tpu.dma_semaphore, #tpu.memory_space<semaphore_mem>>) src(%arg8 : memref<8x4096xf32, #tpu.memory_space<vmem>>) dst(%dma_wait3A_100 : memref<8x4096xf32, #tpu.memory_space<hbm>>)
    %add3A_101 = arith.constant 504 : i32
    %add3A_102 = arith.addi %mul3A_2, %add3A_101 : i32
    %dma_wait3A_103 = arith.constant 0 : i32
    %dma_wait3A_104 = tpu.memref_slice %arg4[%add3A_102, %dma_wait3A_103] : memref<16384x4096xf32, #tpu.memory_space<hbm>> -> memref<8x4096xf32, #tpu.memory_space<hbm>>
    %dma_wait3A_105 = arith.constant 0 : i32
    %dma_wait3A_106 = tpu.memref_slice %arg4[%add3A_102, %dma_wait3A_105] : memref<16384x4096xf32, #tpu.memory_space<hbm>> -> memref<8x4096xf32, #tpu.memory_space<hbm>>
    tpu.wait_dma2 semaphore(%arg12 : memref<!tpu.dma_semaphore, #tpu.memory_space<semaphore_mem>>) src(%arg6 : memref<8x4096xf32, #tpu.memory_space<vmem>>) dst(%dma_wait3A_106 : memref<8x4096xf32, #tpu.memory_space<hbm>>)
    return
  }
}

module attributes {stable_mosaic.version = 14 : i64} {
  func.func @_merge_body(%arg0: i32, %arg1: memref<128x4096xf32, #tpu.memory_space<vmem>>, %arg2: memref<128x4096xf32, #tpu.memory_space<vmem>>, %arg3: memref<128x4096xf32, #tpu.memory_space<vmem>>) attributes {dimension_semantics = [#tpu.dimension_semantics<arbitrary>], iteration_bounds = array<i64: 8>, scalar_prefetch = 0 : i64, scratch_operands = 0 : i64, tpu.core_type = #tpu.core_type<tc>, window_params = [{transform_indices = @transform_0, window_bounds = array<i64: 128, 4096>}, {transform_indices = @transform_1, window_bounds = array<i64: 128, 4096>}, {transform_indices = @transform_2, window_bounds = array<i64: 128, 4096>}]} {
    %lt3A = arith.constant 2 : i32
    %lt3A_0 = arith.cmpi slt, %arg0, %lt3A : i32
    %convert_element_type3A = arith.extui %lt3A_0 : i1 to i32
    %cond3A = arith.constant 0 : i32
    %cond3A_1 = arith.cmpi ne, %convert_element_type3A, %cond3A : i32
    scf.if %cond3A_1 {
      %get3A = arith.constant 0 : index
      %get3A_6 = arith.constant 0 : index
      %get3A_7 = vector.load %arg1[%get3A, %get3A_6] : memref<128x4096xf32, #tpu.memory_space<vmem>>, vector<128x4096xf32>
      %swap3A = arith.constant 0 : index
      %swap3A_8 = arith.constant 0 : index
      %swap3A_9 = vector.load %arg3[%swap3A, %swap3A_8] : memref<128x4096xf32, #tpu.memory_space<vmem>>, vector<128x4096xf32>
      tpu.vector_store %arg3[%swap3A, %swap3A_8], %get3A_7 {strides = array<i32>} : memref<128x4096xf32, #tpu.memory_space<vmem>>, vector<128x4096xf32>,
    } else {
    }
    %ge3A = arith.constant 2 : i32
    %ge3A_2 = arith.cmpi sge, %arg0, %ge3A : i32
    %convert_element_type3A_3 = arith.extui %ge3A_2 : i1 to i32
    %cond3A_4 = arith.constant 0 : i32
    %cond3A_5 = arith.cmpi ne, %convert_element_type3A_3, %cond3A_4 : i32
    scf.if %cond3A_5 {
      %get3A = arith.constant 0 : index
      %get3A_6 = arith.constant 0 : index
      %get3A_7 = vector.load %arg2[%get3A, %get3A_6] : memref<128x4096xf32, #tpu.memory_space<vmem>>, vector<128x4096xf32>
      %swap3A = arith.constant 0 : index
      %swap3A_8 = arith.constant 0 : index
      %swap3A_9 = vector.load %arg3[%swap3A, %swap3A_8] : memref<128x4096xf32, #tpu.memory_space<vmem>>, vector<128x4096xf32>
      tpu.vector_store %arg3[%swap3A, %swap3A_8], %get3A_7 {strides = array<i32>} : memref<128x4096xf32, #tpu.memory_space<vmem>>, vector<128x4096xf32>,
    } else {
    }
    return
  }
  func.func @transform_0(%arg0: i32) -> (i32, i32) {
    %min3A = arith.constant 1 : i32
    %min3A_0 = arith.minsi %arg0, %min3A : i32
    %c0_i32 = arith.constant 0 : i32
    %c0_i32_1 = arith.constant 0 : i32
    return %min3A_0, %c0_i32 : i32, i32
  }
  func.func @transform_1(%arg0: i32) -> (i32, i32) {
    %max3A = arith.constant 2 : i32
    %max3A_0 = arith.maxsi %arg0, %max3A : i32
    %sub3A = arith.constant 2 : i32
    %sub3A_1 = arith.subi %max3A_0, %sub3A : i32
    %c0_i32 = arith.constant 0 : i32
    %c0_i32_2 = arith.constant 0 : i32
    return %sub3A_1, %c0_i32 : i32, i32
  }
  func.func @transform_2(%arg0: i32) -> (i32, i32) {
    %c0_i32 = arith.constant 0 : i32
    %c0_i32_0 = arith.constant 0 : i32
    return %arg0, %c0_i32 : i32, i32
  }
}

</mosaic_0001>

<sc_bundles>
// kernel: _run.4.cloned.1.call-start
scs
__scs_entry_jumppad:
0x0: {  	(pc) =	sbr.rel $0x88, $3  }
0x1: {  	(tag) =	ssettag $0x0;
	lr =	simm.s32 $0x1  }
0x2: {  	[smem:$0x3F9E] =	sst lr;
	_ =	strace $0xD0000000  }
0x3: {  	_ = 	snop  }
0x4: {  	_ = 	snop  }
0x5: {  	_ = 	snop  }
0x6: {  	_ = 	snop  }
0x7: {  	_ = 	snop  }
__scs_overlays_trampoline_lowered:
0x8: {  	[smem:$0x3FAD] =	sst s0  }
0x9: {  	[smem:$0x3FAE] =	sst s1  }
0xa: {  	[smem:$0x3FAF] =	sst s2  }
0xb: {  	[smem:$0x3FB0] =	sst s3  }
0xc: {  	[smem:$0x3FB1] =	sst s4  }
0xd: {  	[smem:$0x3FB2] =	sst s5  }
0xe: {  	[smem:$0x3FB3] =	sst s6  }
0xf: {  	[smem:$0x3FB4] =	sst s7  }
0x10: {  	[smem:$0x3FB5] =	sst s8  }
0x11: {  	[smem:$0x3FB6] =	sst s9;
	s0 =	simm.s32 @!p0 $0x0  }
0x12: {  	s1 =	sld [smem:$0x3F9C];
	s0 =	simm.s32 @p0 $0x1  }
0x13: {  	[smem:$0x3FB7] =	sst s0;
	s0 =	simm.s32 @!p1 $0x0  }
0x14: {  	s2 =	sld [smem:$0x3F9B];
	s0 =	simm.s32 @p1 $0x1  }
0x15: {  	[smem:$0x3FB8] =	sst s0;
	s0 =	simm.s32 @!p2 $0x0  }
0x16: {  	s3 =	sld [smem:$0x3FDB];
	s0 =	simm.s32 @p2 $0x1  }
0x17: {  	s4 =	simm.s32 $0x1BF5;
	[smem:$0x3FBA] =	sst s0  }
0x18: {  	s0 =	sld [smem:$0x3F9D];
	_ =	swait.ge [sflag:s4], $0x0  }
0x19: {  	s7 =	sld [smem:$0x3F9E]  }
0x1a: {  	s8 =	sadd.s32 $0xFFFFE003, lr  }
0x1b: {  	s9 =	sadd.s32 $0xFFFFFEF7, lr;
	s5 =	simm.s32 $0xFFFFFFFF;
	p2 =	slt.u32 s8, $0xFFFFF086  }
0x1c: {  	p1 =	slt.u32 s9, $0xF7A;
	s5 =	simm.s32 @!p2 $0x0  }
0x1d: {  	s5 =	simm.s32 @p1 $0x1;
	p0 =	seq.s32 s7, s2  }
0x1e: {  	s7 =	smul.u32 @!p0 $0xF7A, s2;
	p2 =	seq.s32 @!p0 s5, $0x0  }
0x1f: {  	s9 =	smul.u32 $0xF7A, s1;
	s8 =	simm.s32 @!p0 $0x1BF5;
	p2 =	por !p2, p0  }
0x20: {  	[sflag:s8] =	ssyncset.s32 @!p0 $0xFFFFF086;
	s6 =	sadd.s32 @!p0 s3, s7;
	s7 =	simm.s32 @!p0 $0x108  }
0x21: {  	s3 =	sadd.s32 s3, s9;
	s6 =	sadd.s32 @!p0 $0x88, s6;
	s7 =	simm.s32 @p2 $0x1082  }
0x22: {  	[simem:s7], [sflag:s8] =	dma.local @!p0 [hbm:s6], $0xF7A  }
0x23: {  	s9 =	sor.u32 $0xD0000000, s2;
	s6 =	simm.s32 $0x108;
	_ =	swait.ge @!p0 [sflag:s8], $0x0  }
0x24: {  	s3 =	sadd.s32 $0x88, s3;
	s6 =	simm.s32 @!p1 $0x1082;
	[sflag:s4] =	ssyncset.s32 $0xFFFFF086  }
0x25: {  	[simem:s6], [sflag:s4] =	dma.local [hbm:s3], $0xF7A  }
0x26: {  	[smem:$0x3F9E] =	sst s1;
	(tag) =	ssettag s2;
	_ =	strace s9  }
0x27: {  	s1 =	sld [smem:$0x3FAE]  }
0x28: {  	s2 =	sld [smem:$0x3FAF]  }
0x29: {  	s4 =	sld [smem:$0x3FB1]  }
0x2a: {  	p0 =	seq.s32 s5, $0x0;
	s5 =	sld [smem:$0x3FB2]  }
0x2b: {  	s6 =	sld [smem:$0x3FB3]  }
0x2c: {  	s7 =	sld [smem:$0x3FB4]  }
0x2d: {  	s3 =	simm.s32 $0x108;
	s8 =	sld [smem:$0x3FB5]  }
0x2e: {  	s3 =	simm.s32 @!p0 $0x1082;
	s9 =	sld [smem:$0x3FB6]  }
0x2f: {  	lr =	sadd.s32 s0, s3;
	s0 =	sld [smem:$0x3FAD]  }
0x30: {  	s3 =	sld [smem:$0x3FB0]  }
0x31: {  	[smem:$0x3FB9] =	sst s10  }
0x32: {  	s10 =	sld [smem:$0x3FB7];
	_ =	sdelay $0x3  }
0x33: {  	p0 =	seq.s32 s10, $0x1;
	s10 =	sld [smem:$0x3FB9];
	_ =	sdelay $0x3  }
0x34: {  	[smem:$0x3FB9] =	sst s10  }
0x35: {  	s10 =	sld [smem:$0x3FB8];
	_ =	sdelay $0x3  }
0x36: {  	p1 =	seq.s32 s10, $0x1;
	s10 =	sld [smem:$0x3FB9];
	_ =	sdelay $0x3  }
0x37: {  	[smem:$0x3FB9] =	sst s10  }
0x38: {  	s10 =	sld [smem:$0x3FBA]  }
0x39: {  	_ = 	snop;
	(pc) =	sbr.ind lr, $3  }
0x3a: {  	_ = 	snop  }
0x3b: {  	_ = 	snop  }
0x3c: {  	p2 =	seq.s32 s10, $0x1;
	s10 =	sld [smem:$0x3FB9]  }
0x3d: {  	_ =	shalt  }
0x3e: {  	_ =	shalt  }
0x3f: {  	_ =	shalt  }
0x40: {  	_ =	shalt  }
0x41: {  	_ =	shalt  }
0x42: {  	_ =	shalt  }
0x43: {  	_ =	shalt  }
0x44: {  	_ =	shalt  }
0x45: {  	_ =	shalt  }
0x46: {  	_ =	shalt  }
0x47: {  	_ =	shalt  }
0x48: {  	_ =	shalt  }
0x49: {  	_ =	shalt  }
0x4a: {  	_ =	shalt  }
0x4b: {  	_ =	shalt  }
0x4c: {  	_ =	shalt  }
0x4d: {  	_ =	shalt  }
0x4e: {  	_ =	shalt  }
0x4f: {  	_ =	shalt  }
0x50: {  	_ =	shalt  }
0x51: {  	_ =	shalt  }
0x52: {  	_ =	shalt  }
0x53: {  	_ =	shalt  }
0x54: {  	_ =	shalt  }
0x55: {  	_ =	shalt  }
0x56: {  	_ =	shalt  }
0x57: {  	_ =	shalt  }
0x58: {  	_ =	shalt  }
0x59: {  	_ =	shalt  }
0x5a: {  	_ =	shalt  }
0x5b: {  	_ =	shalt  }
0x5c: {  	_ =	shalt  }
0x5d: {  	_ =	shalt  }
0x5e: {  	_ =	shalt  }
0x5f: {  	_ =	shalt  }
0x60: {  	_ =	shalt  }
0x61: {  	_ =	shalt  }
0x62: {  	_ =	shalt  }
0x63: {  	_ =	shalt  }
0x64: {  	_ =	shalt  }
0x65: {  	_ =	shalt  }
0x66: {  	_ =	shalt  }
0x67: {  	_ =	shalt  }
0x68: {  	_ =	shalt  }
0x69: {  	_ =	shalt  }
0x6a: {  	_ =	shalt  }
0x6b: {  	_ =	shalt  }
0x6c: {  	_ =	shalt  }
0x6d: {  	_ =	shalt  }
0x6e: {  	_ =	shalt  }
0x6f: {  	_ =	shalt  }
0x70: {  	_ =	shalt  }
0x71: {  	_ =	shalt  }
0x72: {  	_ =	shalt  }
0x73: {  	_ =	shalt  }
0x74: {  	_ =	shalt  }
0x75: {  	_ =	shalt  }
0x76: {  	_ =	shalt  }
0x77: {  	_ =	shalt  }
0x78: {  	_ =	shalt  }
0x79: {  	_ =	shalt  }
0x7a: {  	_ =	shalt  }
0x7b: {  	_ =	shalt  }
0x7c: {  	_ =	shalt  }
0x7d: {  	_ =	shalt  }
0x7e: {  	_ =	shalt  }
0x7f: {  	_ =	shalt  }
0x80: {  	_ =	shalt  }
0x81: {  	_ =	shalt  }
0x82: {  	_ =	shalt  }
0x83: {  	_ =	shalt  }
0x84: {  	_ =	shalt  }
0x85: {  	_ =	shalt  }
0x86: {  	_ =	shalt  }
0x87: {  	_ =	shalt  }
.Lfunc_end0:
.L_simem_size_0:
called_computation_lowered:
.L_overlay_start_0:
0x88: {  	s2 =	sld [smem:$0x3FD9]  }
0x89: {  	s3 =	sld [smem:$0x3FFE];
	_ =	sdelay $0x1  }
0x8a: {  	s1 =	srdreg.scid  }
0x8b: {  	s0 =	sand.u32 $0x1, s1  }
0x8c: {  	s17 =	sshll.u32 s0, $0xA;
	s2 =	sadd.s32 s3, s2  }
0x8d: {  	s2 =	sadd.s32 s2, s17  }
0x8e: {  	[smem:$0x3FC5] =	sst s2  }
0x8f: {  	_ = 	snop  }
0x90: {  	s2 =	sld [smem:$0x3FD0];
	(tm) =	ssettm $0x1  }
0x91: {  	s18 =	sld [smem:$0x3FFB];
	_ =	sdelay $0x3  }
0x92: {  	_ =	strace s18  }
0x93: {  	s3 =	sld [smem:$0x3FFC];
	_ =	sdelay $0x3  }
0x94: {  	_ =	strace s3  }
0x95: {  	s3 =	sld [smem:$0x3FFD];
	_ =	sdelay $0x3  }
0x96: {  	_ =	strace s3  }
0x97: {  	_ =	strace $0x8FFFFFFF  }
0x98: {  	s19 =	sld [smem:$0x3FDB];
	_ =	sdelay $0x1  }
0x99: {  	s4 =	simm.s32 $_scs_section_size  }
0x9a: {  	s5 =	simm.s32 $_size__tile_overlayer_lowered;
	s6 =	simm.s32 $_tile_overlayer_lowered  }
0x9b: {  	s22 =	simm.s32 $0x1BFF;
	s21 =	sshll.u32 s6, $0x1;
	s3 =	sadd.s32 s4, s19  }
0x9c: {  	s7 =	simm.s32 $0x0;
	s20 =	sshll.u32 s5, $0x1;
	s5 =	sadd.s32 s21, s3  }
0x9d: {  	[timem:s7], [sflag:s22] =	dma.local [hbm:s5], s20  }
0x9e: {  	_ =	swait.ge [sflag:s22], s20  }
0x9f: {  	s4 =	ssub.s32 $0x0, s20;
	[sflag:s22] =	ssyncset.done $0x0  }
0xa0: {  	[sflag:s22] =	ssyncadd.s32 s4;
	_ =	sdelay $0x1  }
0xa1: {  	s23 =	simm.s32 $0x1B8B  }
0xa2: {  	_ =	swait.ge [sflag:s23], $0x1  }
0xa3: {  	[sflag:s23] =	ssyncset.done $0x0  }
0xa4: {  	s25 =	simm.s32 $0x1B8E;
	s24 =	sld [smem:$0x3FFE];
	[sflag:s23] =	ssyncadd.s32 $0xFFFFFFFF  }
0xa5: {  	s26 =	simm.s32 $execute0_lowered;
	[smem:$0x3FD2] =	sst s25  }
0xa6: {  	s5 =	sshll.u32 s26, $0x1;
	_ =	strace $0x80000046;
	[dreg:$0x1] =	wrdreg $0xFFFFFFFF  }
0xa7: {  	s28 =	simm.s32 $_size_execute0_lowered;
	s3 =	sadd.s32 s3, s5;
	[dreg:$0x0] =	wrdreg $0x0  }
0xa8: {  	s5 =	sshll.u32 s28, $0x1;
	[dreg:$0x2] =	wrdreg s3  }
0xa9: {  	[dreg:$0x3] =	wrdreg s5  }
0xaa: {  	[dreg:$0x4] =	wrdreg $0xC0  }
0xab: {  	_ =	task [dreg:s7], $0x5FFFF  }
0xac: {  	[dreg:$0x1] =	wrdreg $0xFFFFFFFF  }
0xad: {  	[dreg:$0x0] =	wrdreg $0x60  }
0xae: {  	[dreg:$0x2] =	wrdreg s24  }
0xaf: {  	[dreg:$0x3] =	wrdreg s2  }
0xb0: {  	[dreg:$0x4] =	wrdreg $0x9  }
0xb1: {  	_ =	task.clear_ibuf [dreg:s7], $0x5FFFF;
	_ =	strace $0x90000046  }
0xb2: {  	s29 =	simm.s32 $0x9;
	_ =	strace $0x80000048  }
0xb3: {  	_ =	swait.ge [sflag:s29], $0x1  }
0xb4: {  	[sflag:s29] =	ssyncadd.s32 $0xFFFFFFFF  }
0xb5: {  	_ =	strace $0x90000048  }
0xb6: {  	_ =	sfence  }
0xb7: {  	s30 =	sld [smem:$0x0];
	_ =	sdelay $0x2  }
0xb8: {  	s31 =	sshll.u32 s1, $0xD;
	s1 =	sshrl.u32 s1, $0x2  }
0xb9: {  	s3 =	sand.u32 $0x4000, s31;
	s1 =	sadd.s32 s1, s30  }
0xba: {  	s0 =	sor.u32 s3, s0;
	s1 =	sshll.u32 s1, $0x11  }
0xbb: {  	s0 =	sor.u32 s1, s0  }
0xbc: {  	s0 =	sadd.s32 $0x8F2B, s0  }
0xbd: {  	[sflag:s0] =	ssyncadd.remote.s32 $0x1  }
0xbe: {  	_ =	sfence.sel $0xFFFF  }
0xbf: {  	[dreg:$0x0] =	wrdreg $0xFFFFFFFF;
	(pc) =	sbr.abs _section_cstart, $3  }
0xc0: {  	[dreg:$0x1] =	wrdreg $0xFFFFFFFF  }
0xc1: {  	_ =	task.clear_ibuf [dreg:s7], $0x2FFFF;
	_ =	strace $0x9FFFFFFF  }
0xc2: {  	(tm) =	ssettm $0x7FFFFFFF  }
0xc3: {  	_ =	shalt  }
tec
execute0_lowered:
.L_overlay_start_1:
0x0: {  	(tag) =	ssettag $0x1  }
0x1: {  	s0 =	rddreg [dreg:$0x0]  }
0x2: {  	s1 =	rddreg [dreg:$0x1]  }
0x3: {  	s3 =	srdreg.scid;
	s22 =	stileid.u32;
	s2 =	simm.s32 $0x0  }
0x4: {  	s30 =	simm.s32 $0xA800;
	s28 =	simm.s32 $0xB000;
	s29 =	simm.s32 $0xC000  }
0x5: {  	s31 =	simm.s32 $0xC800;
	s4 =	sand.u32 $0x1, s3;
	s24 =	sshll.u32 s22, $0x1  }
0x6: {  	[smem:$0x7FF] =	sst s2;
	s3 =	sadd.s32 $0x8600, s0;
	s8 =	sadd.s32 $0x8A00, s0  }
0x7: {  	s9 =	sadd.s32 $0x8B00, s0;
	s10 =	sadd.s32 $0x8C00, s0;
	s11 =	sadd.s32 $0x8D00, s0  }
0x8: {  	s12 =	sadd.s32 $0x8E00, s0;
	s13 =	sadd.s32 $0x8F00, s0;
	s14 =	sadd.s32 $0x9000, s0  }
0x9: {  	s15 =	sadd.s32 $0x9100, s0;
	s16 =	sadd.s32 $0x9200, s0;
	s18 =	sadd.s32 $0x9400, s0  }
0xa: {  	s26 =	sshll.u32 s22, $0x13;
	s17 =	sor.u32 s4, s24;
	_ =	strace $0x80000047  }
0xb: {  	s6 =	ssub.s32 $0x2, s4;
	s23 =	sshll.u32 s4, $0x12;
	s4 =	simm.s32 $0x2  }
0xc: {  	s5 =	sshll.u32 s17, $0xA;
	s7 =	sshrl.u32 s6, $0x1;
	s19 =	sshll.u32 s17, $0x12  }
0xd: {  	s17 =	sadd.s32 $0x9300, s0;
	s5 =	sadd.s32 s5, s0;
	s20 =	ssub.s32 s6, s7  }
0xe: {  	s6 =	sadd.s32 $0x8800, s0;
	s21 =	sadd.s32 s19, s1;
	s5 =	sadd.s32 $0x600, s5  }
0xf: {  	s7 =	sadd.s32 $0x8900, s0;
	s25 =	sadd.s32 $0x3C000, s21;
	[dreg:$0x3] =	wrdreg s5  }
0x10: {  	s19 =	sadd.s32 $0x9500, s0;
	s22 =	sadd.s32 $0x3D000, s21;
	[dreg:$0x4] =	wrdreg s25  }
0x11: {  	s24 =	sadd.s32 $0x3E000, s21;
	s5 =	sadd.s32 $0x8700, s0;
	[dreg:$0x5] =	wrdreg s22  }
0x12: {  	s0 =	sadd.s32 s26, s1;
	[dreg:$0x7] =	wrdreg s24;
	s25 =	sadd.s32 $0x3F000, s21  }
0x13: {  	s26 =	smax.u32 s20, $0x1;
	s21 =	simm.s32 $0xA000;
	s24 =	simm.s32 $0x1  }
0x14: {  	s20 =	simm.s32 $0x4;
	s22 =	simm.s32 $0x5;
	[dreg:$0x8] =	wrdreg s25  }
0x15: {  	v0 =	vlaneseq.u32;
	s1 =	simm.s32 $0x0;
	s0 =	sadd.s32 s23, s0;
	[dreg:$0x9] =	wrdreg s26  }
0x16: {  	v1 =	vshrl.u32 v0, $0x3;
	s26 =	simm.s32 $0xB800;
	s23 =	simm.s32 $0x12000;
	[dreg:$0xa] =	wrdreg s1  }
0x17: {  	vm0 =	vmmov $0xffff;
	v0 =	vand.u32 $0x7, v0;
	v1 =	vmul.u32 $0x8, v1;
	s25 =	simm.s32 $0x3;
	[dreg:$0x6] =	wrdreg s0;
	s0 =	simm.s32 $0x6  }
.LBB2_1:
0x18: {  	s1 =	rddreg [dreg:$0x3]  }
0x19: {  	[tilespmem:s2], [sflag:$0x7] =	stream.linear.gather [hbm4b:s1+s2], $0x2000, $0x38;
	[tilespmem:$0x1A000] =	vst v63  }
0x1a: {  	s1 =	simm.s32 $0x7  }
0x1b: {  	_ =	swait.ge [sflag:s1], $0x2000  }
0x1c: {  	[sflag:s1] =	ssyncset.done $0x0  }
0x1d: {  	[sflag:s1] =	ssyncadd.s32 $0xFFFFE000  }
0x1e: {  	v2 =	vld.msk [tilespmem:$0x0], $0xff;
	_ =	sdelay $0x4  }
0x1f: {  	v3 =	vshll.u32 v2, $0x5  }
0x20: {  	v2 =	vand.u32 $0x7, v2;
	v3 =	vand.u32 $0xFFFFFF00, v3  }
0x21: {  	v2 =	vor.u32 v2, v3  }
0x22: {  	v2 =	vperm.xlane v2, v0;
	_ =	sdelay $0x1  }
0x23: {  	v2 =	vadd.s32 v1, v2;
	_ =	sdelay $0x3  }
0x24: {  	s1 =	simm.s32 $0x2000  }
0x25: {  	[tilespmem:s1], [sflag:$0x1] =	stream.indirect_vreg.gather [hbm4b:s3+s2], $0x80, v2, vm0, $0xb8;
	[tilespmem:$0x1A000] =	vst v63  }
0x26: {  	s1 =	simm.s32 $0x2800  }
0x27: {  	[tilespmem:s1], [sflag:$0x1] =	stream.indirect_vreg.gather [hbm4b:s5+s2], $0x80, v2, vm0, $0xb8;
	[tilespmem:$0x1A000] =	vst v63  }
0x28: {  	s1 =	simm.s32 $0x3000  }
0x29: {  	[tilespmem:s1], [sflag:$0x1] =	stream.indirect_vreg.gather [hbm4b:s6+s2], $0x80, v2, vm0, $0xb8;
	[tilespmem:$0x1A000] =	vst v63  }
0x2a: {  	s1 =	simm.s32 $0x3800  }
0x2b: {  	[tilespmem:s1], [sflag:$0x1] =	stream.indirect_vreg.gather [hbm4b:s7+s2], $0x80, v2, vm0, $0xb8;
	[tilespmem:$0x1A000] =	vst v63  }
0x2c: {  	s1 =	simm.s32 $0x4000  }
0x2d: {  	[tilespmem:s1], [sflag:$0x1] =	stream.indirect_vreg.gather [hbm4b:s8+s2], $0x80, v2, vm0, $0xb8;
	[tilespmem:$0x1A000] =	vst v63  }
0x2e: {  	s1 =	simm.s32 $0x4800  }
0x2f: {  	[tilespmem:s1], [sflag:$0x1] =	stream.indirect_vreg.gather [hbm4b:s9+s2], $0x80, v2, vm0, $0xb8;
	[tilespmem:$0x1A000] =	vst v63  }
0x30: {  	s1 =	simm.s32 $0x5000  }
0x31: {  	[tilespmem:s1], [sflag:$0x1] =	stream.indirect_vreg.gather [hbm4b:s10+s2], $0x80, v2, vm0, $0xb8;
	[tilespmem:$0x1A000] =	vst v63  }
0x32: {  	s1 =	simm.s32 $0x5800  }
0x33: {  	[tilespmem:s1], [sflag:$0x1] =	stream.indirect_vreg.gather [hbm4b:s11+s2], $0x80, v2, vm0, $0xb8;
	[tilespmem:$0x1A000] =	vst v63  }
0x34: {  	s1 =	simm.s32 $0x6000  }
0x35: {  	[tilespmem:s1], [sflag:$0x1] =	stream.indirect_vreg.gather [hbm4b:s12+s2], $0x80, v2, vm0, $0xb8;
	[tilespmem:$0x1A000] =	vst v63  }
0x36: {  	s1 =	simm.s32 $0x6800  }
0x37: {  	[tilespmem:s1], [sflag:$0x1] =	stream.indirect_vreg.gather [hbm4b:s13+s2], $0x80, v2, vm0, $0xb8;
	[tilespmem:$0x1A000] =	vst v63  }
0x38: {  	s1 =	simm.s32 $0x7000  }
0x39: {  	[tilespmem:s1], [sflag:$0x1] =	stream.indirect_vreg.gather [hbm4b:s14+s2], $0x80, v2, vm0, $0xb8;
	[tilespmem:$0x1A000] =	vst v63  }
0x3a: {  	s1 =	simm.s32 $0x7800  }
0x3b: {  	[tilespmem:s1], [sflag:$0x1] =	stream.indirect_vreg.gather [hbm4b:s15+s2], $0x80, v2, vm0, $0xb8;
	[tilespmem:$0x1A000] =	vst v63  }
0x3c: {  	s1 =	simm.s32 $0x8000  }
0x3d: {  	[tilespmem:s1], [sflag:$0x1] =	stream.indirect_vreg.gather [hbm4b:s16+s2], $0x80, v2, vm0, $0xb8;
	[tilespmem:$0x1A000] =	vst v63  }
0x3e: {  	s1 =	simm.s32 $0x8800  }
0x3f: {  	[tilespmem:s1], [sflag:$0x1] =	stream.indirect_vreg.gather [hbm4b:s17+s2], $0x80, v2, vm0, $0xb8;
	[tilespmem:$0x1A000] =	vst v63  }
0x40: {  	s1 =	simm.s32 $0x9000  }
0x41: {  	[tilespmem:s1], [sflag:$0x1] =	stream.indirect_vreg.gather [hbm4b:s18+s2], $0x80, v2, vm0, $0xb8;
	[tilespmem:$0x1A000] =	vst v63  }
0x42: {  	s1 =	simm.s32 $0x9800  }
0x43: {  	[tilespmem:s1], [sflag:$0x1] =	stream.indirect_vreg.gather [hbm4b:s19+s2], $0x80, v2, vm0, $0xb8;
	[tilespmem:$0x1A000] =	vst v63  }
0x44: {  	v2 =	vld.msk [tilespmem:$0x80], $0xff;
	_ =	sdelay $0x4  }
0x45: {  	v3 =	vshll.u32 v2, $0x5  }
0x46: {  	v2 =	vand.u32 $0x7, v2;
	v3 =	vand.u32 $0xFFFFFF00, v3  }
0x47: {  	v2 =	vor.u32 v2, v3  }
0x48: {  	v2 =	vperm.xlane v2, v0;
	_ =	sdelay $0x1  }
0x49: {  	v2 =	vadd.s32 v1, v2;
	_ =	sdelay $0x4  }
0x4a: {  	[tilespmem:s21], [sflag:$0x2] =	stream.indirect_vreg.gather [hbm4b:s3+s2], $0x80, v2, vm0, $0xb8;
	[tilespmem:$0x1A000] =	vst v63  }
0x4b: {  	_ = 	snop  }
0x4c: {  	[tilespmem:s30], [sflag:$0x2] =	stream.indirect_vreg.gather [hbm4b:s5+s2], $0x80, v2, vm0, $0xb8;
	[tilespmem:$0x1A000] =	vst v63  }
0x4d: {  	_ = 	snop  }
0x4e: {  	[tilespmem:s28], [sflag:$0x2] =	stream.indirect_vreg.gather [hbm4b:s6+s2], $0x80, v2, vm0, $0xb8;
	[tilespmem:$0x1A000] =	vst v63  }
0x4f: {  	_ = 	snop  }
0x50: {  	[tilespmem:s26], [sflag:$0x2] =	stream.indirect_vreg.gather [hbm4b:s7+s2], $0x80, v2, vm0, $0xb8;
	[tilespmem:$0x1A000] =	vst v63  }
0x51: {  	_ = 	snop  }
0x52: {  	[tilespmem:s29], [sflag:$0x2] =	stream.indirect_vreg.gather [hbm4b:s8+s2], $0x80, v2, vm0, $0xb8;
	[tilespmem:$0x1A000] =	vst v63  }
0x53: {  	_ = 	snop  }
0x54: {  	[tilespmem:s31], [sflag:$0x2] =	stream.indirect_vreg.gather [hbm4b:s9+s2], $0x80, v2, vm0, $0xb8;
	[tilespmem:$0x1A000] =	vst v63  }
0x55: {  	s30 =	simm.s32 $0xD000  }
0x56: {  	[tilespmem:s30], [sflag:$0x2] =	stream.indirect_vreg.gather [hbm4b:s10+s2], $0x80, v2, vm0, $0xb8;
	[tilespmem:$0x1A000] =	vst v63  }
0x57: {  	s21 =	simm.s32 $0xD800  }
0x58: {  	[tilespmem:s21], [sflag:$0x2] =	stream.indirect_vreg.gather [hbm4b:s11+s2], $0x80, v2, vm0, $0xb8;
	[tilespmem:$0x1A000] =	vst v63  }
0x59: {  	s26 =	simm.s32 $0xE000  }
0x5a: {  	[tilespmem:s26], [sflag:$0x2] =	stream.indirect_vreg.gather [hbm4b:s12+s2], $0x80, v2, vm0, $0xb8;
	[tilespmem:$0x1A000] =	vst v63  }
0x5b: {  	s28 =	simm.s32 $0xE800  }
0x5c: {  	[tilespmem:s28], [sflag:$0x2] =	stream.indirect_vreg.gather [hbm4b:s13+s2], $0x80, v2, vm0, $0xb8;
	[tilespmem:$0x1A000] =	vst v63  }
0x5d: {  	s30 =	simm.s32 $0xF000  }
0x5e: {  	[tilespmem:s30], [sflag:$0x2] =	stream.indirect_vreg.gather [hbm4b:s14+s2], $0x80, v2, vm0, $0xb8;
	[tilespmem:$0x1A000] =	vst v63  }
0x5f: {  	s21 =	simm.s32 $0xF800  }
0x60: {  	[tilespmem:s21], [sflag:$0x2] =	stream.indirect_vreg.gather [hbm4b:s15+s2], $0x80, v2, vm0, $0xb8;
	[tilespmem:$0x1A000] =	vst v63  }
0x61: {  	s26 =	simm.s32 $0x10000  }
0x62: {  	[tilespmem:s26], [sflag:$0x2] =	stream.indirect_vreg.gather [hbm4b:s16+s2], $0x80, v2, vm0, $0xb8;
	[tilespmem:$0x1A000] =	vst v63  }
0x63: {  	s28 =	simm.s32 $0x10800  }
0x64: {  	[tilespmem:s28], [sflag:$0x2] =	stream.indirect_vreg.gather [hbm4b:s17+s2], $0x80, v2, vm0, $0xb8;
	[tilespmem:$0x1A000] =	vst v63  }
0x65: {  	s30 =	simm.s32 $0x11000  }
0x66: {  	[tilespmem:s30], [sflag:$0x2] =	stream.indirect_vreg.gather [hbm4b:s18+s2], $0x80, v2, vm0, $0xb8;
	[tilespmem:$0x1A000] =	vst v63  }
0x67: {  	s21 =	simm.s32 $0x11800  }
0x68: {  	[tilespmem:s21], [sflag:$0x2] =	stream.indirect_vreg.gather [hbm4b:s19+s2], $0x80, v2, vm0, $0xb8;
	[tilespmem:$0x1A000] =	vst v63  }
0x69: {  	v2 =	vld.msk [tilespmem:$0x100], $0xff;
	_ =	sdelay $0x4  }
0x6a: {  	v3 =	vshll.u32 v2, $0x5  }
0x6b: {  	v2 =	vand.u32 $0x7, v2;
	v3 =	vand.u32 $0xFFFFFF00, v3  }
0x6c: {  	v2 =	vor.u32 v2, v3  }
0x6d: {  	v2 =	vperm.xlane v2, v0;
	_ =	sdelay $0x1  }
0x6e: {  	v2 =	vadd.s32 v1, v2;
	_ =	sdelay $0x4  }
0x6f: {  	[tilespmem:s23], [sflag:$0x3] =	stream.indirect_vreg.gather [hbm4b:s3+s2], $0x80, v2, vm0, $0xb8;
	[tilespmem:$0x1A000] =	vst v63  }
0x70: {  	s23 =	simm.s32 $0x12800  }
0x71: {  	[tilespmem:s23], [sflag:$0x3] =	stream.indirect_vreg.gather [hbm4b:s5+s2], $0x80, v2, vm0, $0xb8;
	[tilespmem:$0x1A000] =	vst v63  }
0x72: {  	s26 =	simm.s32 $0x13000  }
0x73: {  	[tilespmem:s26], [sflag:$0x3] =	stream.indirect_vreg.gather [hbm4b:s6+s2], $0x80, v2, vm0, $0xb8;
	[tilespmem:$0x1A000] =	vst v63  }
0x74: {  	s28 =	simm.s32 $0x13800  }
0x75: {  	[tilespmem:s28], [sflag:$0x3] =	stream.indirect_vreg.gather [hbm4b:s7+s2], $0x80, v2, vm0, $0xb8;
	[tilespmem:$0x1A000] =	vst v63  }
0x76: {  	s30 =	simm.s32 $0x14000  }
0x77: {  	[tilespmem:s30], [sflag:$0x3] =	stream.indirect_vreg.gather [hbm4b:s8+s2], $0x80, v2, vm0, $0xb8;
	[tilespmem:$0x1A000] =	vst v63  }
0x78: {  	s21 =	simm.s32 $0x14800  }
0x79: {  	[tilespmem:s21], [sflag:$0x3] =	stream.indirect_vreg.gather [hbm4b:s9+s2], $0x80, v2, vm0, $0xb8;
	[tilespmem:$0x1A000] =	vst v63  }
0x7a: {  	s23 =	simm.s32 $0x15000  }
0x7b: {  	[tilespmem:s23], [sflag:$0x3] =	stream.indirect_vreg.gather [hbm4b:s10+s2], $0x80, v2, vm0, $0xb8;
	[tilespmem:$0x1A000] =	vst v63  }
0x7c: {  	s26 =	simm.s32 $0x15800  }
0x7d: {  	[tilespmem:s26], [sflag:$0x3] =	stream.indirect_vreg.gather [hbm4b:s11+s2], $0x80, v2, vm0, $0xb8;
	[tilespmem:$0x1A000] =	vst v63  }
0x7e: {  	s28 =	simm.s32 $0x16000  }
0x7f: {  	[tilespmem:s28], [sflag:$0x3] =	stream.indirect_vreg.gather [hbm4b:s12+s2], $0x80, v2, vm0, $0xb8;
	[tilespmem:$0x1A000] =	vst v63  }
0x80: {  	s30 =	simm.s32 $0x16800  }
0x81: {  	[tilespmem:s30], [sflag:$0x3] =	stream.indirect_vreg.gather [hbm4b:s13+s2], $0x80, v2, vm0, $0xb8;
	[tilespmem:$0x1A000] =	vst v63  }
0x82: {  	s21 =	simm.s32 $0x17000  }
0x83: {  	[tilespmem:s21], [sflag:$0x3] =	stream.indirect_vreg.gather [hbm4b:s14+s2], $0x80, v2, vm0, $0xb8;
	[tilespmem:$0x1A000] =	vst v63  }
0x84: {  	s23 =	simm.s32 $0x17800  }
0x85: {  	[tilespmem:s23], [sflag:$0x3] =	stream.indirect_vreg.gather [hbm4b:s15+s2], $0x80, v2, vm0, $0xb8;
	[tilespmem:$0x1A000] =	vst v63  }
0x86: {  	s26 =	simm.s32 $0x18000  }
0x87: {  	[tilespmem:s26], [sflag:$0x3] =	stream.indirect_vreg.gather [hbm4b:s16+s2], $0x80, v2, vm0, $0xb8;
	[tilespmem:$0x1A000] =	vst v63  }
0x88: {  	s28 =	simm.s32 $0x18800  }
0x89: {  	[tilespmem:s28], [sflag:$0x3] =	stream.indirect_vreg.gather [hbm4b:s17+s2], $0x80, v2, vm0, $0xb8;
	[tilespmem:$0x1A000] =	vst v63  }
0x8a: {  	s30 =	simm.s32 $0x19000  }
0x8b: {  	[tilespmem:s30], [sflag:$0x3] =	stream.indirect_vreg.gather [hbm4b:s18+s2], $0x80, v2, vm0, $0xb8;
	[tilespmem:$0x1A000] =	vst v63  }
0x8c: {  	s29 =	simm.s32 $0x0;
	s31 =	simm.s32 $0x19800;
	s26 =	rddreg [dreg:$0x6]  }
0x8d: {  	[tilespmem:s31], [sflag:$0x3] =	stream.indirect_vreg.gather [hbm4b:s19+s2], $0x80, v2, vm0, $0xb8;
	[tilespmem:$0x1A000] =	vst v63  }
.LBB2_2:
0x8e: {  	_ =	swait.ge [sflag:s24], $0x8000  }
0x8f: {  	[sflag:s24] =	ssyncset.done $0x0  }
0x90: {  	s30 =	simm.s32 $0x2000;
	[sflag:s24] =	ssyncadd.s32 $0xFFFF8000  }
0x91: {  	[hbm4b:s26+s2] =	stream.linear.scatter [tilespmem:s30], [sflag:$0x4], $0x8000, $0x38;
	[tilespmem:$0x1A000] =	vst v63  }
0x92: {  	_ =	swait.ge [sflag:s4], $0x8000  }
0x93: {  	[sflag:s4] =	ssyncset.done $0x0  }
0x94: {  	s1 =	sadd.s32 $0x1000, s26;
	s23 =	simm.s32 $0xA000;
	[sflag:s4] =	ssyncadd.s32 $0xFFFF8000  }
0x95: {  	[hbm4b:s1+s2] =	stream.linear.scatter [tilespmem:s23], [sflag:$0x5], $0x8000, $0x38;
	[tilespmem:$0x1A000] =	vst v63  }
0x96: {  	_ =	swait.ge [sflag:s25], $0x8000  }
0x97: {  	[sflag:s25] =	ssyncset.done $0x0  }
0x98: {  	s21 =	sadd.s32 $0x2000, s26;
	s28 =	simm.s32 $0x12000;
	[sflag:s25] =	ssyncadd.s32 $0xFFFF8000  }
0x99: {  	[hbm4b:s21+s2] =	stream.linear.scatter [tilespmem:s28], [sflag:$0x6], $0x8000, $0x38;
	[tilespmem:$0x1A000] =	vst v63  }
0x9a: {  	_ =	swait.ge [sflag:s20], $0x8000  }
0x9b: {  	[sflag:s20] =	ssyncset.done $0x0  }
0x9c: {  	s1 =	sshra.s32 s29, $0x2;
	[sflag:s20] =	ssyncadd.s32 $0xFFFF8000  }
0x9d: {  	v2 =	vld.msk [tilespmem:s1+$0x180], $0xff;
	_ =	sdelay $0x4  }
0x9e: {  	v3 =	vshll.u32 v2, $0x5  }
0x9f: {  	v2 =	vand.u32 $0x7, v2;
	v3 =	vand.u32 $0xFFFFFF00, v3  }
0xa0: {  	v2 =	vor.u32 v2, v3  }
0xa1: {  	v2 =	vperm.xlane v2, v0;
	_ =	sdelay $0x1  }
0xa2: {  	v2 =	vadd.s32 v1, v2;
	_ =	sdelay $0x4  }
0xa3: {  	[tilespmem:s30], [sflag:$0x1] =	stream.indirect_vreg.gather [hbm4b:s3+s2], $0x80, v2, vm0, $0xb8;
	[tilespmem:$0x1A000] =	vst v63  }
0xa4: {  	s30 =	simm.s32 $0x2800  }
0xa5: {  	[tilespmem:s30], [sflag:$0x1] =	stream.indirect_vreg.gather [hbm4b:s5+s2], $0x80, v2, vm0, $0xb8;
	[tilespmem:$0x1A000] =	vst v63  }
0xa6: {  	s30 =	simm.s32 $0x3000  }
0xa7: {  	[tilespmem:s30], [sflag:$0x1] =	stream.indirect_vreg.gather [hbm4b:s6+s2], $0x80, v2, vm0, $0xb8;
	[tilespmem:$0x1A000] =	vst v63  }
0xa8: {  	s30 =	simm.s32 $0x3800  }
0xa9: {  	[tilespmem:s30], [sflag:$0x1] =	stream.indirect_vreg.gather [hbm4b:s7+s2], $0x80, v2, vm0, $0xb8;
	[tilespmem:$0x1A000] =	vst v63  }
0xaa: {  	s30 =	simm.s32 $0x4000  }
0xab: {  	[tilespmem:s30], [sflag:$0x1] =	stream.indirect_vreg.gather [hbm4b:s8+s2], $0x80, v2, vm0, $0xb8;
	[tilespmem:$0x1A000] =	vst v63  }
0xac: {  	s30 =	simm.s32 $0x4800  }
0xad: {  	[tilespmem:s30], [sflag:$0x1] =	stream.indirect_vreg.gather [hbm4b:s9+s2], $0x80, v2, vm0, $0xb8;
	[tilespmem:$0x1A000] =	vst v63  }
0xae: {  	s30 =	simm.s32 $0x5000  }
0xaf: {  	[tilespmem:s30], [sflag:$0x1] =	stream.indirect_vreg.gather [hbm4b:s10+s2], $0x80, v2, vm0, $0xb8;
	[tilespmem:$0x1A000] =	vst v63  }
0xb0: {  	s30 =	simm.s32 $0x5800  }
0xb1: {  	[tilespmem:s30], [sflag:$0x1] =	stream.indirect_vreg.gather [hbm4b:s11+s2], $0x80, v2, vm0, $0xb8;
	[tilespmem:$0x1A000] =	vst v63  }
0xb2: {  	s30 =	simm.s32 $0x6000  }
0xb3: {  	[tilespmem:s30], [sflag:$0x1] =	stream.indirect_vreg.gather [hbm4b:s12+s2], $0x80, v2, vm0, $0xb8;
	[tilespmem:$0x1A000] =	vst v63  }
0xb4: {  	s30 =	simm.s32 $0x6800  }
0xb5: {  	[tilespmem:s30], [sflag:$0x1] =	stream.indirect_vreg.gather [hbm4b:s13+s2], $0x80, v2, vm0, $0xb8;
	[tilespmem:$0x1A000] =	vst v63  }
0xb6: {  	s30 =	simm.s32 $0x7000  }
0xb7: {  	[tilespmem:s30], [sflag:$0x1] =	stream.indirect_vreg.gather [hbm4b:s14+s2], $0x80, v2, vm0, $0xb8;
	[tilespmem:$0x1A000] =	vst v63  }
0xb8: {  	s30 =	simm.s32 $0x7800  }
0xb9: {  	[tilespmem:s30], [sflag:$0x1] =	stream.indirect_vreg.gather [hbm4b:s15+s2], $0x80, v2, vm0, $0xb8;
	[tilespmem:$0x1A000] =	vst v63  }
0xba: {  	s30 =	simm.s32 $0x8000  }
0xbb: {  	[tilespmem:s30], [sflag:$0x1] =	stream.indirect_vreg.gather [hbm4b:s16+s2], $0x80, v2, vm0, $0xb8;
	[tilespmem:$0x1A000] =	vst v63  }
0xbc: {  	s30 =	simm.s32 $0x8800  }
0xbd: {  	[tilespmem:s30], [sflag:$0x1] =	stream.indirect_vreg.gather [hbm4b:s17+s2], $0x80, v2, vm0, $0xb8;
	[tilespmem:$0x1A000] =	vst v63  }
0xbe: {  	s30 =	simm.s32 $0x9000  }
0xbf: {  	[tilespmem:s30], [sflag:$0x1] =	stream.indirect_vreg.gather [hbm4b:s18+s2], $0x80, v2, vm0, $0xb8;
	[tilespmem:$0x1A000] =	vst v63  }
0xc0: {  	s30 =	simm.s32 $0x9800  }
0xc1: {  	[tilespmem:s30], [sflag:$0x1] =	stream.indirect_vreg.gather [hbm4b:s19+s2], $0x80, v2, vm0, $0xb8;
	[tilespmem:$0x1A000] =	vst v63  }
0xc2: {  	_ =	swait.ge [sflag:s22], $0x8000  }
0xc3: {  	[sflag:s22] =	ssyncset.done $0x0  }
0xc4: {  	[sflag:s22] =	ssyncadd.s32 $0xFFFF8000  }
0xc5: {  	v2 =	vld.msk [tilespmem:s1+$0x200], $0xff;
	_ =	sdelay $0x4  }
0xc6: {  	v3 =	vshll.u32 v2, $0x5  }
0xc7: {  	v2 =	vand.u32 $0x7, v2;
	v3 =	vand.u32 $0xFFFFFF00, v3  }
0xc8: {  	v2 =	vor.u32 v2, v3  }
0xc9: {  	v2 =	vperm.xlane v2, v0;
	_ =	sdelay $0x1  }
0xca: {  	v2 =	vadd.s32 v1, v2;
	_ =	sdelay $0x4  }
0xcb: {  	[tilespmem:s23], [sflag:$0x2] =	stream.indirect_vreg.gather [hbm4b:s3+s2], $0x80, v2, vm0, $0xb8;
	[tilespmem:$0x1A000] =	vst v63  }
0xcc: {  	s30 =	simm.s32 $0xA800  }
0xcd: {  	[tilespmem:s30], [sflag:$0x2] =	stream.indirect_vreg.gather [hbm4b:s5+s2], $0x80, v2, vm0, $0xb8;
	[tilespmem:$0x1A000] =	vst v63  }
0xce: {  	s23 =	simm.s32 $0xB000  }
0xcf: {  	[tilespmem:s23], [sflag:$0x2] =	stream.indirect_vreg.gather [hbm4b:s6+s2], $0x80, v2, vm0, $0xb8;
	[tilespmem:$0x1A000] =	vst v63  }
0xd0: {  	s23 =	simm.s32 $0xB800  }
0xd1: {  	[tilespmem:s23], [sflag:$0x2] =	stream.indirect_vreg.gather [hbm4b:s7+s2], $0x80, v2, vm0, $0xb8;
	[tilespmem:$0x1A000] =	vst v63  }
0xd2: {  	s23 =	simm.s32 $0xC000  }
0xd3: {  	[tilespmem:s23], [sflag:$0x2] =	stream.indirect_vreg.gather [hbm4b:s8+s2], $0x80, v2, vm0, $0xb8;
	[tilespmem:$0x1A000] =	vst v63  }
0xd4: {  	s23 =	simm.s32 $0xC800  }
0xd5: {  	[tilespmem:s23], [sflag:$0x2] =	stream.indirect_vreg.gather [hbm4b:s9+s2], $0x80, v2, vm0, $0xb8;
	[tilespmem:$0x1A000] =	vst v63  }
0xd6: {  	s23 =	simm.s32 $0xD000  }
0xd7: {  	[tilespmem:s23], [sflag:$0x2] =	stream.indirect_vreg.gather [hbm4b:s10+s2], $0x80, v2, vm0, $0xb8;
	[tilespmem:$0x1A000] =	vst v63  }
0xd8: {  	s23 =	simm.s32 $0xD800  }
0xd9: {  	[tilespmem:s23], [sflag:$0x2] =	stream.indirect_vreg.gather [hbm4b:s11+s2], $0x80, v2, vm0, $0xb8;
	[tilespmem:$0x1A000] =	vst v63  }
0xda: {  	s23 =	simm.s32 $0xE000  }
0xdb: {  	[tilespmem:s23], [sflag:$0x2] =	stream.indirect_vreg.gather [hbm4b:s12+s2], $0x80, v2, vm0, $0xb8;
	[tilespmem:$0x1A000] =	vst v63  }
0xdc: {  	s23 =	simm.s32 $0xE800  }
0xdd: {  	[tilespmem:s23], [sflag:$0x2] =	stream.indirect_vreg.gather [hbm4b:s13+s2], $0x80, v2, vm0, $0xb8;
	[tilespmem:$0x1A000] =	vst v63  }
0xde: {  	s23 =	simm.s32 $0xF000  }
0xdf: {  	[tilespmem:s23], [sflag:$0x2] =	stream.indirect_vreg.gather [hbm4b:s14+s2], $0x80, v2, vm0, $0xb8;
	[tilespmem:$0x1A000] =	vst v63  }
0xe0: {  	s23 =	simm.s32 $0xF800  }
0xe1: {  	[tilespmem:s23], [sflag:$0x2] =	stream.indirect_vreg.gather [hbm4b:s15+s2], $0x80, v2, vm0, $0xb8;
	[tilespmem:$0x1A000] =	vst v63  }
0xe2: {  	s23 =	simm.s32 $0x10000  }
0xe3: {  	[tilespmem:s23], [sflag:$0x2] =	stream.indirect_vreg.gather [hbm4b:s16+s2], $0x80, v2, vm0, $0xb8;
	[tilespmem:$0x1A000] =	vst v63  }
0xe4: {  	s23 =	simm.s32 $0x10800  }
0xe5: {  	[tilespmem:s23], [sflag:$0x2] =	stream.indirect_vreg.gather [hbm4b:s17+s2], $0x80, v2, vm0, $0xb8;
	[tilespmem:$0x1A000] =	vst v63  }
0xe6: {  	s23 =	simm.s32 $0x11000  }
0xe7: {  	[tilespmem:s23], [sflag:$0x2] =	stream.indirect_vreg.gather [hbm4b:s18+s2], $0x80, v2, vm0, $0xb8;
	[tilespmem:$0x1A000] =	vst v63  }
0xe8: {  	s23 =	simm.s32 $0x11800  }
0xe9: {  	[tilespmem:s23], [sflag:$0x2] =	stream.indirect_vreg.gather [hbm4b:s19+s2], $0x80, v2, vm0, $0xb8;
	[tilespmem:$0x1A000] =	vst v63  }
0xea: {  	_ =	swait.ge [sflag:s0], $0x8000  }
0xeb: {  	[sflag:s0] =	ssyncset.done $0x0  }
0xec: {  	[sflag:s0] =	ssyncadd.s32 $0xFFFF8000  }
0xed: {  	v2 =	vld.msk [tilespmem:s1+$0x280], $0xff;
	_ =	sdelay $0x4  }
0xee: {  	v3 =	vshll.u32 v2, $0x5  }
0xef: {  	v2 =	vand.u32 $0x7, v2;
	v3 =	vand.u32 $0xFFFFFF00, v3  }
0xf0: {  	v2 =	vor.u32 v2, v3  }
0xf1: {  	v2 =	vperm.xlane v2, v0;
	_ =	sdelay $0x1  }
0xf2: {  	v2 =	vadd.s32 v1, v2;
	_ =	sdelay $0x4  }
0xf3: {  	[tilespmem:s28], [sflag:$0x3] =	stream.indirect_vreg.gather [hbm4b:s3+s2], $0x80, v2, vm0, $0xb8;
	[tilespmem:$0x1A000] =	vst v63  }
0xf4: {  	s28 =	simm.s32 $0x12800  }
0xf5: {  	[tilespmem:s28], [sflag:$0x3] =	stream.indirect_vreg.gather [hbm4b:s5+s2], $0x80, v2, vm0, $0xb8;
	[tilespmem:$0x1A000] =	vst v63  }
0xf6: {  	s28 =	simm.s32 $0x13000  }
0xf7: {  	[tilespmem:s28], [sflag:$0x3] =	stream.indirect_vreg.gather [hbm4b:s6+s2], $0x80, v2, vm0, $0xb8;
	[tilespmem:$0x1A000] =	vst v63  }
0xf8: {  	s28 =	simm.s32 $0x13800  }
0xf9: {  	[tilespmem:s28], [sflag:$0x3] =	stream.indirect_vreg.gather [hbm4b:s7+s2], $0x80, v2, vm0, $0xb8;
	[tilespmem:$0x1A000] =	vst v63  }
0xfa: {  	s28 =	simm.s32 $0x14000  }
0xfb: {  	[tilespmem:s28], [sflag:$0x3] =	stream.indirect_vreg.gather [hbm4b:s8+s2], $0x80, v2, vm0, $0xb8;
	[tilespmem:$0x1A000] =	vst v63  }
0xfc: {  	s28 =	simm.s32 $0x14800  }
0xfd: {  	[tilespmem:s28], [sflag:$0x3] =	stream.indirect_vreg.gather [hbm4b:s9+s2], $0x80, v2, vm0, $0xb8;
	[tilespmem:$0x1A000] =	vst v63  }
0xfe: {  	s28 =	simm.s32 $0x15000  }
0xff: {  	[tilespmem:s28], [sflag:$0x3] =	stream.indirect_vreg.gather [hbm4b:s10+s2], $0x80, v2, vm0, $0xb8;
	[tilespmem:$0x1A000] =	vst v63  }
0x100: {  	s28 =	simm.s32 $0x15800  }
0x101: {  	[tilespmem:s28], [sflag:$0x3] =	stream.indirect_vreg.gather [hbm4b:s11+s2], $0x80, v2, vm0, $0xb8;
	[tilespmem:$0x1A000] =	vst v63  }
0x102: {  	s28 =	simm.s32 $0x16000  }
0x103: {  	[tilespmem:s28], [sflag:$0x3] =	stream.indirect_vreg.gather [hbm4b:s12+s2], $0x80, v2, vm0, $0xb8;
	[tilespmem:$0x1A000] =	vst v63  }
0x104: {  	s28 =	simm.s32 $0x16800  }
0x105: {  	[tilespmem:s28], [sflag:$0x3] =	stream.indirect_vreg.gather [hbm4b:s13+s2], $0x80, v2, vm0, $0xb8;
	[tilespmem:$0x1A000] =	vst v63  }
0x106: {  	s28 =	simm.s32 $0x17000  }
0x107: {  	[tilespmem:s28], [sflag:$0x3] =	stream.indirect_vreg.gather [hbm4b:s14+s2], $0x80, v2, vm0, $0xb8;
	[tilespmem:$0x1A000] =	vst v63  }
0x108: {  	s28 =	simm.s32 $0x17800  }
0x109: {  	[tilespmem:s28], [sflag:$0x3] =	stream.indirect_vreg.gather [hbm4b:s15+s2], $0x80, v2, vm0, $0xb8;
	[tilespmem:$0x1A000] =	vst v63  }
0x10a: {  	s28 =	simm.s32 $0x18000  }
0x10b: {  	[tilespmem:s28], [sflag:$0x3] =	stream.indirect_vreg.gather [hbm4b:s16+s2], $0x80, v2, vm0, $0xb8;
	[tilespmem:$0x1A000] =	vst v63  }
0x10c: {  	p0 =	sne.s32 s29, $0x7200;
	s28 =	simm.s32 $0x18800  }
0x10d: {  	[tilespmem:s28], [sflag:$0x3] =	stream.indirect_vreg.gather [hbm4b:s17+s2], $0x80, v2, vm0, $0xb8;
	[tilespmem:$0x1A000] =	vst v63  }
.Ltmp0:
0x10e: {  	_ = 	snop;
	(pc) =	sbr.rel @p0 .LBB2_2-.Ltmp0, $4  }
0x10f: {  	s26 =	sadd.s32 $0x3000, s26;
	s28 =	simm.s32 $0x19000  }
0x110: {  	[tilespmem:s28], [sflag:$0x3] =	stream.indirect_vreg.gather [hbm4b:s18+s2], $0x80, v2, vm0, $0xb8;
	[tilespmem:$0x1A000] =	vst v63  }
0x111: {  	s29 =	sadd.s32 $0x600, s29;
	s21 =	simm.s32 $0xA000;
	s23 =	simm.s32 $0x12000  }
0x112: {  	[tilespmem:s31], [sflag:$0x3] =	stream.indirect_vreg.gather [hbm4b:s19+s2], $0x80, v2, vm0, $0xb8;
	[tilespmem:$0x1A000] =	vst v63  }
0x113: {  	_ =	swait.ge [sflag:s24], $0x8000  }
0x114: {  	[sflag:s24] =	ssyncset.done $0x0  }
0x115: {  	s26 =	simm.s32 $0x2000;
	s1 =	rddreg [dreg:$0x4];
	[sflag:s24] =	ssyncadd.s32 $0xFFFF8000  }
0x116: {  	[hbm4b:s1+s2] =	stream.linear.scatter [tilespmem:s26], [sflag:$0x4], $0x8000, $0x38;
	[tilespmem:$0x1A000] =	vst v63  }
0x117: {  	_ =	swait.ge [sflag:s4], $0x8000  }
0x118: {  	[sflag:s4] =	ssyncset.done $0x0  }
0x119: {  	s1 =	rddreg [dreg:$0x5];
	[sflag:s4] =	ssyncadd.s32 $0xFFFF8000  }
0x11a: {  	[hbm4b:s1+s2] =	stream.linear.scatter [tilespmem:s21], [sflag:$0x5], $0x8000, $0x38;
	[tilespmem:$0x1A000] =	vst v63  }
0x11b: {  	_ =	swait.ge [sflag:s25], $0x8000  }
0x11c: {  	[sflag:s25] =	ssyncset.done $0x0  }
0x11d: {  	s1 =	rddreg [dreg:$0x7];
	[sflag:s25] =	ssyncadd.s32 $0xFFFF8000  }
0x11e: {  	[hbm4b:s1+s2] =	stream.linear.scatter [tilespmem:s23], [sflag:$0x6], $0x8000, $0x38;
	[tilespmem:$0x1A000] =	vst v63  }
0x11f: {  	_ =	swait.ge [sflag:s20], $0x8000  }
0x120: {  	[sflag:s20] =	ssyncset.done $0x0  }
0x121: {  	[sflag:s20] =	ssyncadd.s32 $0xFFFF8000  }
0x122: {  	v2 =	vld.msk [tilespmem:$0x1F80], $0xff;
	_ =	sdelay $0x4  }
0x123: {  	v3 =	vshll.u32 v2, $0x5  }
0x124: {  	v2 =	vand.u32 $0x7, v2;
	v3 =	vand.u32 $0xFFFFFF00, v3  }
0x125: {  	v2 =	vor.u32 v2, v3  }
0x126: {  	v2 =	vperm.xlane v2, v0;
	_ =	sdelay $0x1  }
0x127: {  	v2 =	vadd.s32 v1, v2;
	_ =	sdelay $0x4  }
0x128: {  	[tilespmem:s26], [sflag:$0x1] =	stream.indirect_vreg.gather [hbm4b:s3+s2], $0x80, v2, vm0, $0xb8;
	[tilespmem:$0x1A000] =	vst v63  }
0x129: {  	s1 =	simm.s32 $0x2800  }
0x12a: {  	[tilespmem:s1], [sflag:$0x1] =	stream.indirect_vreg.gather [hbm4b:s5+s2], $0x80, v2, vm0, $0xb8;
	[tilespmem:$0x1A000] =	vst v63  }
0x12b: {  	s1 =	simm.s32 $0x3000  }
0x12c: {  	[tilespmem:s1], [sflag:$0x1] =	stream.indirect_vreg.gather [hbm4b:s6+s2], $0x80, v2, vm0, $0xb8;
	[tilespmem:$0x1A000] =	vst v63  }
0x12d: {  	s1 =	simm.s32 $0x3800  }
0x12e: {  	[tilespmem:s1], [sflag:$0x1] =	stream.indirect_vreg.gather [hbm4b:s7+s2], $0x80, v2, vm0, $0xb8;
	[tilespmem:$0x1A000] =	vst v63  }
0x12f: {  	s1 =	simm.s32 $0x4000  }
0x130: {  	[tilespmem:s1], [sflag:$0x1] =	stream.indirect_vreg.gather [hbm4b:s8+s2], $0x80, v2, vm0, $0xb8;
	[tilespmem:$0x1A000] =	vst v63  }
0x131: {  	s1 =	simm.s32 $0x4800  }
0x132: {  	[tilespmem:s1], [sflag:$0x1] =	stream.indirect_vreg.gather [hbm4b:s9+s2], $0x80, v2, vm0, $0xb8;
	[tilespmem:$0x1A000] =	vst v63  }
0x133: {  	s1 =	simm.s32 $0x5000  }
0x134: {  	[tilespmem:s1], [sflag:$0x1] =	stream.indirect_vreg.gather [hbm4b:s10+s2], $0x80, v2, vm0, $0xb8;
	[tilespmem:$0x1A000] =	vst v63  }
0x135: {  	s1 =	simm.s32 $0x5800  }
0x136: {  	[tilespmem:s1], [sflag:$0x1] =	stream.indirect_vreg.gather [hbm4b:s11+s2], $0x80, v2, vm0, $0xb8;
	[tilespmem:$0x1A000] =	vst v63  }
0x137: {  	s1 =	simm.s32 $0x6000  }
0x138: {  	[tilespmem:s1], [sflag:$0x1] =	stream.indirect_vreg.gather [hbm4b:s12+s2], $0x80, v2, vm0, $0xb8;
	[tilespmem:$0x1A000] =	vst v63  }
0x139: {  	s1 =	simm.s32 $0x6800  }
0x13a: {  	[tilespmem:s1], [sflag:$0x1] =	stream.indirect_vreg.gather [hbm4b:s13+s2], $0x80, v2, vm0, $0xb8;
	[tilespmem:$0x1A000] =	vst v63  }
0x13b: {  	s1 =	simm.s32 $0x7000  }
0x13c: {  	[tilespmem:s1], [sflag:$0x1] =	stream.indirect_vreg.gather [hbm4b:s14+s2], $0x80, v2, vm0, $0xb8;
	[tilespmem:$0x1A000] =	vst v63  }
0x13d: {  	s1 =	simm.s32 $0x7800  }
0x13e: {  	[tilespmem:s1], [sflag:$0x1] =	stream.indirect_vreg.gather [hbm4b:s15+s2], $0x80, v2, vm0, $0xb8;
	[tilespmem:$0x1A000] =	vst v63  }
0x13f: {  	s1 =	simm.s32 $0x8000  }
0x140: {  	[tilespmem:s1], [sflag:$0x1] =	stream.indirect_vreg.gather [hbm4b:s16+s2], $0x80, v2, vm0, $0xb8;
	[tilespmem:$0x1A000] =	vst v63  }
0x141: {  	s1 =	simm.s32 $0x8800  }
0x142: {  	[tilespmem:s1], [sflag:$0x1] =	stream.indirect_vreg.gather [hbm4b:s17+s2], $0x80, v2, vm0, $0xb8;
	[tilespmem:$0x1A000] =	vst v63  }
0x143: {  	s1 =	simm.s32 $0x9000  }
0x144: {  	[tilespmem:s1], [sflag:$0x1] =	stream.indirect_vreg.gather [hbm4b:s18+s2], $0x80, v2, vm0, $0xb8;
	[tilespmem:$0x1A000] =	vst v63  }
0x145: {  	s1 =	simm.s32 $0x9800  }
0x146: {  	[tilespmem:s1], [sflag:$0x1] =	stream.indirect_vreg.gather [hbm4b:s19+s2], $0x80, v2, vm0, $0xb8;
	[tilespmem:$0x1A000] =	vst v63  }
0x147: {  	_ =	swait.ge [sflag:s24], $0x8000  }
0x148: {  	[sflag:s24] =	ssyncset.done $0x0  }
0x149: {  	s1 =	rddreg [dreg:$0x8];
	[sflag:s24] =	ssyncadd.s32 $0xFFFF8000  }
0x14a: {  	[hbm4b:s1+s2] =	stream.linear.scatter [tilespmem:s26], [sflag:$0x4], $0x8000, $0x38;
	[tilespmem:$0x1A000] =	vst v63  }
0x14b: {  	_ =	swait.ge [sflag:s22], $0x8000  }
0x14c: {  	[sflag:s22] =	ssyncset.done $0x0  }
0x14d: {  	[sflag:s22] =	ssyncadd.s32 $0xFFFF8000  }
0x14e: {  	_ =	swait.ge [sflag:s0], $0x8000  }
0x14f: {  	[sflag:s0] =	ssyncset.done $0x0  }
0x150: {  	[sflag:s0] =	ssyncadd.s32 $0xFFFF8000  }
0x151: {  	_ =	swait.ge [sflag:s20], $0x8000  }
0x152: {  	s1 =	rddreg [dreg:$0xa]  }
0x153: {  	s26 =	sadd.s32 $0x1, s1;
	s1 =	rddreg [dreg:$0x9]  }
0x154: {  	p0 =	sne.s32 s26, s1  }
.Ltmp1:
0x155: {  	_ = 	snop;
	(pc) =	sbr.rel @p0 .LBB2_1-.Ltmp1, $4  }
0x156: {  	_ = 	snop  }
0x157: {  	s28 =	simm.s32 $0xB000  }
0x158: {  	s29 =	simm.s32 $0xC000;
	s31 =	simm.s32 $0xC800;
	[sflag:s20] =	ssyncset.done $0x0  }
0x159: {  	[sflag:s20] =	ssyncadd.s32 $0xFFFF8000;
	[dreg:$0xa] =	wrdreg s26;
	s26 =	simm.s32 $0xB800  }
0x15a: {  	_ =	sfence.sel $0x180000  }
0x15b: {  	[bflag:$0x0] =	sbarrier.arrive $0xFFFF  }
0x15c: {  	_ =	strace $0x90000047  }
0x15d: {  	s0 =	stileid.u32;
	[bflag:$0x2] =	sbarrier.arrive $0xFFFF  }
0x15e: {  	p0 =	sne.s32 s0, $0x0;
	s0 =	rddreg [dreg:$0x2]  }
0x15f: {  	s0 =	sadd.s32 @!p0 $0x100000, s0  }
0x160: {  	[sflag:s0] =	ssyncadd.tile.s32 @!p0 $0x1;
	_ =	shalt  }
.Lfunc_end2:
_tile_overlayer_lowered:
.L_overlay_start_2:
0x161: {  	(tag) =	ssettag $0x2  }
0x162: {  	s0 =	rddreg [dreg:$0x0];
	s2 =	stileid.u32  }
0x163: {  	s1 =	rddreg [dreg:$0x1];
	p0 =	sne.s32 s2, $0x0  }
0x164: {  	s3 =	rddreg [dreg:$0x2];
	[bflag:$0x3] =	sbarrier.arrive $0xFFFF;
	s2 =	simm.s32 @!p0 $0x1C07  }
0x165: {  	[timem:s3], [sflag:s2] =	dma.local @!p0 [hbm:s0], s1  }
0x166: {  	s0 =	simm.s32 @!p0 $0x7  }
0x167: {  	_ =	swait.ge @!p0 [sflag:s0], s1  }
0x168: {  	s1 =	ssub.s32 @!p0 $0x0, s1;
	[sflag:s0] =	ssyncset.done @!p0 $0x0  }
0x169: {  	[sflag:s0] =	ssyncadd.s32 @!p0 s1  }
0x16a: {  	[bflag:$0x3] =	sbarrier.arrive $0xFFFF  }
0x16b: {  	_ =	shalt  }

</sc_bundles>
